<compile_context>
chip_gen: v7x
topology: tpu7x:2x2x1
jax: 0.10.2.dev20260603
libtpu: 0.0.44.dev20260713+nightly
codegen_flags: <defaults>
</compile_context>

<pallas_src>
import functools

import jax
import jax.numpy as jnp
from jax import lax
from jax.experimental import pallas as pl
from jax.experimental.pallas import tpu as pltpu
from jax.experimental.pallas import tpu_sc as plsc

DIM = 4096
BATCH = 4096
L = 16

NC = 2
NS = 16
NW = NC * NS
ROWS_PER_W = BATCH // NW
RB = 8
NB = ROWS_PER_W // RB
NP = NB // 2
HD = DIM // 2

_mesh = plsc.VectorSubcoreMesh(core_axis_name="c", subcore_axis_name="s")


@functools.partial(
    pl.kernel,
    out_type=jax.ShapeDtypeStruct((BATCH, DIM), jnp.float32),
    mesh=_mesh,
    scratch_types=[
        pltpu.VMEM((DIM,), jnp.int32),
        pltpu.VMEM((RB, DIM), jnp.float32),
        pltpu.VMEM((RB, DIM), jnp.float32),
        pltpu.VMEM((RB, HD), jnp.float32),
        pltpu.VMEM((RB, HD), jnp.float32),
        pltpu.SemaphoreType.DMA,
        pltpu.SemaphoreType.DMA,
        pltpu.SemaphoreType.DMA,
        pltpu.SemaphoreType.DMA,
    ],
    compiler_params=pltpu.CompilerParams(
        use_tc_tiling_on_sc=True, needs_layout_passes=False
    ),
)
def _permute(x_hbm, perm_hbm, out_hbm, perm_v, in0, in1, outa, outb,
             si0, si1, soa, sob):
    wid = lax.axis_index("s") * NC + lax.axis_index("c")
    row0 = wid * ROWS_PER_W

    ins = (in0, in1)
    outs = (outa, outb)
    sin = (si0, si1)
    sout = (soa, sob)

    def start_in(b, slot):
        pltpu.make_async_copy(
            x_hbm.at[pl.ds(row0 + b * RB, RB)], ins[slot], sin[slot]).start()

    def wait_in(slot):
        pltpu.make_async_copy(
            x_hbm.at[pl.ds(0, RB)], ins[slot], sin[slot]).wait()

    def start_out(b, h):
        pltpu.make_async_copy(
            outs[h],
            out_hbm.at[pl.ds(row0 + b * RB, RB), pl.ds(h * HD, HD)],
            sout[h]).start()

    def wait_out(h):
        pltpu.make_async_copy(
            outs[h],
            out_hbm.at[pl.ds(0, RB), pl.ds(h * HD, HD)],
            sout[h]).wait()

    def gather_half(src, h):
        @plsc.parallel_loop(h * HD, (h + 1) * HD, step=L, unroll=1)
        def _jloop(j):
            pv = perm_v[pl.ds(j, L)]
            for r in range(RB):
                rsel = jnp.full((L,), r, jnp.int32)
                outs[h][r, pl.ds(j - h * HD, L)] = plsc.load_gather(
                    src, [rsel, pv])

    start_in(0, 0)
    start_in(1, 1)
    pltpu.sync_copy(perm_hbm, perm_v)

    def pair_body(k, carry):
        b0 = 2 * k
        wait_in(0)
        for h in range(2):
            @pl.when(k > 0)
            def _():
                wait_out(h)
            gather_half(ins[0], h)
            start_out(b0, h)

        @pl.when(k < NP - 1)
        def _():
            start_in(b0 + 2, 0)

        wait_in(1)
        for h in range(2):
            wait_out(h)
            gather_half(ins[1], h)
            start_out(b0 + 1, h)

        @pl.when(k < NP - 1)
        def _():
            start_in(b0 + 3, 1)
        return carry

    lax.fori_loop(0, NP, pair_body, 0)
    wait_out(0)
    wait_out(1)


def kernel(x, perm):
    return _permute(x, perm)

# --- scband reference (transcript-rebuilt; emitter-appended) ---
"""Pipeline reference for scband-random-permutation-38465727103154 (READ-ONLY COPY).

The authoritative reference and input builder live on the scoring server;
editing this copy changes nothing except your own understanding.
"""

import jax, jax.numpy as jnp
import numpy as np

DIM = 4096
BATCH = 4096

def setup_inputs(seed: int = 0) -> dict:
    key = jax.random.key(seed)
    x = jax.random.normal(key, (BATCH, DIM), dtype=jnp.float32)
    # buffer: fixed random permutation of columns (registered at __init__)
    perm = jnp.asarray(np.random.default_rng(0).permutation(DIM), dtype=jnp.int32)
    return {"x": x, "perm": perm}

def reference(x, perm):
    # x[:, self.perm] -> gather along axis 1
    return jnp.take(x, perm, axis=1)

if __name__ == "__main__":
    import jax
    _d = setup_inputs()
    print(jax.jit(kernel)(*tuple(_d.values())))

</pallas_src>

<mosaic_0001>
#map = affine_map<(d0, d1) -> (0, 0)>
#map1 = affine_map<(d0, d1) -> (0)>
module attributes {stable_mosaic.version = 14 : i64} {
  func.func @_permute(%arg0: i32, %arg1: i32, %arg2: memref<4096x4096xf32, #tpu.memory_space<hbm>>, %arg3: memref<4096xi32, #tpu.memory_space<hbm>>, %arg4: memref<4096x4096xf32, #tpu.memory_space<hbm>>, %arg5: memref<4096xi32, #tpu.memory_space<vmem>>, %arg6: memref<8x4096xf32, #tpu.memory_space<vmem>>, %arg7: memref<8x4096xf32, #tpu.memory_space<vmem>>, %arg8: memref<8x2048xf32, #tpu.memory_space<vmem>>, %arg9: memref<8x2048xf32, #tpu.memory_space<vmem>>, %arg10: memref<!tpu.dma_semaphore, #tpu.memory_space<semaphore_mem>>, %arg11: memref<!tpu.dma_semaphore, #tpu.memory_space<semaphore_mem>>, %arg12: memref<!tpu.dma_semaphore, #tpu.memory_space<semaphore_mem>>, %arg13: memref<!tpu.dma_semaphore, #tpu.memory_space<semaphore_mem>>) attributes {dimension_semantics = [#tpu.dimension_semantics<core_parallel>, #tpu.dimension_semantics<subcore_parallel>], iteration_bounds = array<i64: 2, 16>, scalar_prefetch = 0 : i64, scratch_operands = 9 : i64, tpu.core_type = #tpu.core_type<sc_vector_subcore>, window_params = [{transform_indices = #map}, {transform_indices = #map1}, {transform_indices = #map}]} {
    %mul3A = arith.constant 2 : i32
    %mul3A_0 = arith.muli %arg1, %mul3A : i32
    %add3A = arith.addi %mul3A_0, %arg0 : i32
    %mul3A_1 = arith.constant 128 : i32
    %mul3A_2 = arith.muli %add3A, %mul3A_1 : i32
    %add3A_3 = arith.constant 0 : i32
    %add3A_4 = arith.addi %mul3A_2, %add3A_3 : i32
    %dma_start3A = arith.constant 0 : i32
    %dma_start3A_5 = tpu.memref_slice %arg2[%add3A_4, %dma_start3A] : memref<4096x4096xf32, #tpu.memory_space<hbm>> -> memref<8x4096xf32, #tpu.memory_space<hbm>>
    %dma_start3A_6 = arith.constant 0 : i32
    %dma_start3A_7 = tpu.memref_slice %arg2[%add3A_4, %dma_start3A_6] : memref<4096x4096xf32, #tpu.memory_space<hbm>> -> memref<8x4096xf32, #tpu.memory_space<hbm>>
    tpu.enqueue_dma source(%dma_start3A_7 : memref<8x4096xf32, #tpu.memory_space<hbm>>) target(%arg6 : memref<8x4096xf32, #tpu.memory_space<vmem>>) target_semaphore(%arg10 : memref<!tpu.dma_semaphore, #tpu.memory_space<semaphore_mem>>)
    %add3A_8 = arith.constant 8 : i32
    %add3A_9 = arith.addi %mul3A_2, %add3A_8 : i32
    %dma_start3A_10 = arith.constant 0 : i32
    %dma_start3A_11 = tpu.memref_slice %arg2[%add3A_9, %dma_start3A_10] : memref<4096x4096xf32, #tpu.memory_space<hbm>> -> memref<8x4096xf32, #tpu.memory_space<hbm>>
    %dma_start3A_12 = arith.constant 0 : i32
    %dma_start3A_13 = tpu.memref_slice %arg2[%add3A_9, %dma_start3A_12] : memref<4096x4096xf32, #tpu.memory_space<hbm>> -> memref<8x4096xf32, #tpu.memory_space<hbm>>
    tpu.enqueue_dma source(%dma_start3A_13 : memref<8x4096xf32, #tpu.memory_space<hbm>>) target(%arg7 : memref<8x4096xf32, #tpu.memory_space<vmem>>) target_semaphore(%arg11 : memref<!tpu.dma_semaphore, #tpu.memory_space<semaphore_mem>>)
    "tpu.region"() ({
      %run_scoped3A = tpu.sem_alloc : memref<!tpu.dma_semaphore, #tpu.memory_space<semaphore_mem>>
      tpu.enqueue_dma source(%arg3 : memref<4096xi32, #tpu.memory_space<hbm>>) target(%arg5 : memref<4096xi32, #tpu.memory_space<vmem>>) target_semaphore(%run_scoped3A : memref<!tpu.dma_semaphore, #tpu.memory_space<semaphore_mem>>)
      tpu.wait_dma2 semaphore(%run_scoped3A : memref<!tpu.dma_semaphore, #tpu.memory_space<semaphore_mem>>) src(%arg3 : memref<4096xi32, #tpu.memory_space<hbm>>) dst(%arg5 : memref<4096xi32, #tpu.memory_space<vmem>>)
      tpu.yield
    }) : () -> ()
    %scan3A = arith.constant 0 : i32
    %scan3A_14 = arith.constant 0 : i32
    %scan3A_15 = arith.constant 8 : i32
    %scan3A_16 = arith.addi %scan3A_14, %scan3A_15 : i32
    %scan3A_17 = arith.constant 1 : i32
    scf.for %scan3A_30 = %scan3A_14 to %scan3A_16 step %scan3A_17  : i32 {
      %mul3A_31 = arith.constant 2 : i32
      %mul3A_32 = arith.muli %mul3A_31, %scan3A_30 : i32
      %dma_wait3A_33 = arith.constant 0 : i32
      %dma_wait3A_34 = arith.constant 0 : i32
      %dma_wait3A_35 = tpu.memref_slice %arg2[%dma_wait3A_33, %dma_wait3A_34] : memref<4096x4096xf32, #tpu.memory_space<hbm>> -> memref<8x4096xf32, #tpu.memory_space<hbm>>
      %dma_wait3A_36 = arith.constant 0 : i32
      %dma_wait3A_37 = arith.constant 0 : i32
      %dma_wait3A_38 = tpu.memref_slice %arg2[%dma_wait3A_36, %dma_wait3A_37] : memref<4096x4096xf32, #tpu.memory_space<hbm>> -> memref<8x4096xf32, #tpu.memory_space<hbm>>
      tpu.wait_dma2 semaphore(%arg10 : memref<!tpu.dma_semaphore, #tpu.memory_space<semaphore_mem>>) src(%dma_wait3A_38 : memref<8x4096xf32, #tpu.memory_space<hbm>>) dst(%arg6 : memref<8x4096xf32, #tpu.memory_space<vmem>>)
      %gt3A = arith.constant 0 : i32
      %gt3A_39 = arith.cmpi sgt, %scan3A_30, %gt3A : i32
      %convert_element_type3A = arith.extui %gt3A_39 : i1 to i32
      %cond3A = arith.constant 0 : i32
      %cond3A_40 = arith.cmpi ne, %convert_element_type3A, %cond3A : i32
      scf.if %cond3A_40 {
        %dma_wait3A_116 = arith.constant 0 : i32
        %dma_wait3A_117 = arith.constant 0 : i32
        %dma_wait3A_118 = tpu.memref_slice %arg4[%dma_wait3A_116, %dma_wait3A_117] : memref<4096x4096xf32, #tpu.memory_space<hbm>> -> memref<8x2048xf32, #tpu.memory_space<hbm>>
        %dma_wait3A_119 = arith.constant 0 : i32
        %dma_wait3A_120 = arith.constant 0 : i32
        %dma_wait3A_121 = tpu.memref_slice %arg4[%dma_wait3A_119, %dma_wait3A_120] : memref<4096x4096xf32, #tpu.memory_space<hbm>> -> memref<8x2048xf32, #tpu.memory_space<hbm>>
        tpu.wait_dma2 semaphore(%arg12 : memref<!tpu.dma_semaphore, #tpu.memory_space<semaphore_mem>>) src(%arg8 : memref<8x2048xf32, #tpu.memory_space<vmem>>) dst(%dma_wait3A_121 : memref<8x2048xf32, #tpu.memory_space<hbm>>)
      } else {
      }
      %parallel_loop3A = arith.constant 0 : i32
      %parallel_loop3A_41 = arith.constant 2048 : i32
      %parallel_loop3A_42 = arith.constant 16 : i32
      scf.for %parallel_loop3A_116 = %parallel_loop3A to %parallel_loop3A_41 step %parallel_loop3A_42  : i32 {
        %parallel_loop3A_117 = arith.index_cast %parallel_loop3A_116 : i32 to index
        %parallel_loop3A_118 = tpu.vector_load %arg5[%parallel_loop3A_117] {strides = array<i32>} : memref<4096xi32, #tpu.memory_space<vmem>>, vector<16xi32>,
        %parallel_loop3A_119 = arith.constant 0 : i32
        %parallel_loop3A_120 = vector.broadcast %parallel_loop3A_119 : i32 to vector<16xi32>
        %parallel_loop3A_121 = tpu.vector_load_idx %arg6[%parallel_loop3A_120, %parallel_loop3A_118] : memref<8x4096xf32, #tpu.memory_space<vmem>>[vector<16xi32>, vector<16xi32>], vector<16xf32>,
        %parallel_loop3A_122 = arith.constant 0 : i32
        %parallel_loop3A_123 = arith.subi %parallel_loop3A_116, %parallel_loop3A_122 : i32
        %parallel_loop3A_124 = arith.constant 0 : i32
        %parallel_loop3A_125 = arith.index_cast %parallel_loop3A_124 : i32 to index
        %parallel_loop3A_126 = arith.index_cast %parallel_loop3A_123 : i32 to index
        %parallel_loop3A_127 = tpu.vector_load %arg8[%parallel_loop3A_125, %parallel_loop3A_126] {strides = array<i32>} : memref<8x2048xf32, #tpu.memory_space<vmem>>, vector<16xf32>,
        tpu.vector_store %arg8[%parallel_loop3A_125, %parallel_loop3A_126], %parallel_loop3A_121 {strides = array<i32>} : memref<8x2048xf32, #tpu.memory_space<vmem>>, vector<16xf32>,
        %parallel_loop3A_128 = arith.constant 1 : i32
        %parallel_loop3A_129 = vector.broadcast %parallel_loop3A_128 : i32 to vector<16xi32>
        %parallel_loop3A_130 = tpu.vector_load_idx %arg6[%parallel_loop3A_129, %parallel_loop3A_118] : memref<8x4096xf32, #tpu.memory_space<vmem>>[vector<16xi32>, vector<16xi32>], vector<16xf32>,
        %parallel_loop3A_131 = arith.constant 0 : i32
        %parallel_loop3A_132 = arith.subi %parallel_loop3A_116, %parallel_loop3A_131 : i32
        %parallel_loop3A_133 = arith.constant 1 : i32
        %parallel_loop3A_134 = arith.index_cast %parallel_loop3A_133 : i32 to index
        %parallel_loop3A_135 = arith.index_cast %parallel_loop3A_132 : i32 to index
        %parallel_loop3A_136 = tpu.vector_load %arg8[%parallel_loop3A_134, %parallel_loop3A_135] {strides = array<i32>} : memref<8x2048xf32, #tpu.memory_space<vmem>>, vector<16xf32>,
        tpu.vector_store %arg8[%parallel_loop3A_134, %parallel_loop3A_135], %parallel_loop3A_130 {strides = array<i32>} : memref<8x2048xf32, #tpu.memory_space<vmem>>, vector<16xf32>,
        %parallel_loop3A_137 = arith.constant 2 : i32
        %parallel_loop3A_138 = vector.broadcast %parallel_loop3A_137 : i32 to vector<16xi32>
        %parallel_loop3A_139 = tpu.vector_load_idx %arg6[%parallel_loop3A_138, %parallel_loop3A_118] : memref<8x4096xf32, #tpu.memory_space<vmem>>[vector<16xi32>, vector<16xi32>], vector<16xf32>,
        %parallel_loop3A_140 = arith.constant 0 : i32
        %parallel_loop3A_141 = arith.subi %parallel_loop3A_116, %parallel_loop3A_140 : i32
        %parallel_loop3A_142 = arith.constant 2 : i32
        %parallel_loop3A_143 = arith.index_cast %parallel_loop3A_142 : i32 to index
        %parallel_loop3A_144 = arith.index_cast %parallel_loop3A_141 : i32 to index
        %parallel_loop3A_145 = tpu.vector_load %arg8[%parallel_loop3A_143, %parallel_loop3A_144] {strides = array<i32>} : memref<8x2048xf32, #tpu.memory_space<vmem>>, vector<16xf32>,
        tpu.vector_store %arg8[%parallel_loop3A_143, %parallel_loop3A_144], %parallel_loop3A_139 {strides = array<i32>} : memref<8x2048xf32, #tpu.memory_space<vmem>>, vector<16xf32>,
        %parallel_loop3A_146 = arith.constant 3 : i32
        %parallel_loop3A_147 = vector.broadcast %parallel_loop3A_146 : i32 to vector<16xi32>
        %parallel_loop3A_148 = tpu.vector_load_idx %arg6[%parallel_loop3A_147, %parallel_loop3A_118] : memref<8x4096xf32, #tpu.memory_space<vmem>>[vector<16xi32>, vector<16xi32>], vector<16xf32>,
        %parallel_loop3A_149 = arith.constant 0 : i32
        %parallel_loop3A_150 = arith.subi %parallel_loop3A_116, %parallel_loop3A_149 : i32
        %parallel_loop3A_151 = arith.constant 3 : i32
        %parallel_loop3A_152 = arith.index_cast %parallel_loop3A_151 : i32 to index
        %parallel_loop3A_153 = arith.index_cast %parallel_loop3A_150 : i32 to index
        %parallel_loop3A_154 = tpu.vector_load %arg8[%parallel_loop3A_152, %parallel_loop3A_153] {strides = array<i32>} : memref<8x2048xf32, #tpu.memory_space<vmem>>, vector<16xf32>,
        tpu.vector_store %arg8[%parallel_loop3A_152, %parallel_loop3A_153], %parallel_loop3A_148 {strides = array<i32>} : memref<8x2048xf32, #tpu.memory_space<vmem>>, vector<16xf32>,
        %parallel_loop3A_155 = arith.constant 4 : i32
        %parallel_loop3A_156 = vector.broadcast %parallel_loop3A_155 : i32 to vector<16xi32>
        %parallel_loop3A_157 = tpu.vector_load_idx %arg6[%parallel_loop3A_156, %parallel_loop3A_118] : memref<8x4096xf32, #tpu.memory_space<vmem>>[vector<16xi32>, vector<16xi32>], vector<16xf32>,
        %parallel_loop3A_158 = arith.constant 0 : i32
        %parallel_loop3A_159 = arith.subi %parallel_loop3A_116, %parallel_loop3A_158 : i32
        %parallel_loop3A_160 = arith.constant 4 : i32
        %parallel_loop3A_161 = arith.index_cast %parallel_loop3A_160 : i32 to index
        %parallel_loop3A_162 = arith.index_cast %parallel_loop3A_159 : i32 to index
        %parallel_loop3A_163 = tpu.vector_load %arg8[%parallel_loop3A_161, %parallel_loop3A_162] {strides = array<i32>} : memref<8x2048xf32, #tpu.memory_space<vmem>>, vector<16xf32>,
        tpu.vector_store %arg8[%parallel_loop3A_161, %parallel_loop3A_162], %parallel_loop3A_157 {strides = array<i32>} : memref<8x2048xf32, #tpu.memory_space<vmem>>, vector<16xf32>,
        %parallel_loop3A_164 = arith.constant 5 : i32
        %parallel_loop3A_165 = vector.broadcast %parallel_loop3A_164 : i32 to vector<16xi32>
        %parallel_loop3A_166 = tpu.vector_load_idx %arg6[%parallel_loop3A_165, %parallel_loop3A_118] : memref<8x4096xf32, #tpu.memory_space<vmem>>[vector<16xi32>, vector<16xi32>], vector<16xf32>,
        %parallel_loop3A_167 = arith.constant 0 : i32
        %parallel_loop3A_168 = arith.subi %parallel_loop3A_116, %parallel_loop3A_167 : i32
        %parallel_loop3A_169 = arith.constant 5 : i32
        %parallel_loop3A_170 = arith.index_cast %parallel_loop3A_169 : i32 to index
        %parallel_loop3A_171 = arith.index_cast %parallel_loop3A_168 : i32 to index
        %parallel_loop3A_172 = tpu.vector_load %arg8[%parallel_loop3A_170, %parallel_loop3A_171] {strides = array<i32>} : memref<8x2048xf32, #tpu.memory_space<vmem>>, vector<16xf32>,
        tpu.vector_store %arg8[%parallel_loop3A_170, %parallel_loop3A_171], %parallel_loop3A_166 {strides = array<i32>} : memref<8x2048xf32, #tpu.memory_space<vmem>>, vector<16xf32>,
        %parallel_loop3A_173 = arith.constant 6 : i32
        %parallel_loop3A_174 = vector.broadcast %parallel_loop3A_173 : i32 to vector<16xi32>
        %parallel_loop3A_175 = tpu.vector_load_idx %arg6[%parallel_loop3A_174, %parallel_loop3A_118] : memref<8x4096xf32, #tpu.memory_space<vmem>>[vector<16xi32>, vector<16xi32>], vector<16xf32>,
        %parallel_loop3A_176 = arith.constant 0 : i32
        %parallel_loop3A_177 = arith.subi %parallel_loop3A_116, %parallel_loop3A_176 : i32
        %parallel_loop3A_178 = arith.constant 6 : i32
        %parallel_loop3A_179 = arith.index_cast %parallel_loop3A_178 : i32 to index
        %parallel_loop3A_180 = arith.index_cast %parallel_loop3A_177 : i32 to index
        %parallel_loop3A_181 = tpu.vector_load %arg8[%parallel_loop3A_179, %parallel_loop3A_180] {strides = array<i32>} : memref<8x2048xf32, #tpu.memory_space<vmem>>, vector<16xf32>,
        tpu.vector_store %arg8[%parallel_loop3A_179, %parallel_loop3A_180], %parallel_loop3A_175 {strides = array<i32>} : memref<8x2048xf32, #tpu.memory_space<vmem>>, vector<16xf32>,
        %parallel_loop3A_182 = arith.constant 7 : i32
        %parallel_loop3A_183 = vector.broadcast %parallel_loop3A_182 : i32 to vector<16xi32>
        %parallel_loop3A_184 = tpu.vector_load_idx %arg6[%parallel_loop3A_183, %parallel_loop3A_118] : memref<8x4096xf32, #tpu.memory_space<vmem>>[vector<16xi32>, vector<16xi32>], vector<16xf32>,
        %parallel_loop3A_185 = arith.constant 0 : i32
        %parallel_loop3A_186 = arith.subi %parallel_loop3A_116, %parallel_loop3A_185 : i32
        %parallel_loop3A_187 = arith.constant 7 : i32
        %parallel_loop3A_188 = arith.index_cast %parallel_loop3A_187 : i32 to index
        %parallel_loop3A_189 = arith.index_cast %parallel_loop3A_186 : i32 to index
        %parallel_loop3A_190 = tpu.vector_load %arg8[%parallel_loop3A_188, %parallel_loop3A_189] {strides = array<i32>} : memref<8x2048xf32, #tpu.memory_space<vmem>>, vector<16xf32>,
        tpu.vector_store %arg8[%parallel_loop3A_188, %parallel_loop3A_189], %parallel_loop3A_184 {strides = array<i32>} : memref<8x2048xf32, #tpu.memory_space<vmem>>, vector<16xf32>,
      } {sc.loop_unroll_factor = 1 : i64, sc.parallel_access}
      %mul3A_43 = arith.constant 8 : i32
      %mul3A_44 = arith.muli %mul3A_32, %mul3A_43 : i32
      %add3A_45 = arith.addi %mul3A_2, %mul3A_44 : i32
      %dma_start3A_46 = arith.constant 0 : i32
      %dma_start3A_47 = tpu.memref_slice %arg4[%add3A_45, %dma_start3A_46] : memref<4096x4096xf32, #tpu.memory_space<hbm>> -> memref<8x2048xf32, #tpu.memory_space<hbm>>
      %dma_start3A_48 = arith.constant 0 : i32
      %dma_start3A_49 = tpu.memref_slice %arg4[%add3A_45, %dma_start3A_48] : memref<4096x4096xf32, #tpu.memory_space<hbm>> -> memref<8x2048xf32, #tpu.memory_space<hbm>>
      tpu.enqueue_dma source(%arg8 : memref<8x2048xf32, #tpu.memory_space<vmem>>) target(%dma_start3A_49 : memref<8x2048xf32, #tpu.memory_space<hbm>>) target_semaphore(%arg12 : memref<!tpu.dma_semaphore, #tpu.memory_space<semaphore_mem>>)
      %gt3A_50 = arith.constant 0 : i32
      %gt3A_51 = arith.cmpi sgt, %scan3A_30, %gt3A_50 : i32
      %convert_element_type3A_52 = arith.extui %gt3A_51 : i1 to i32
      %cond3A_53 = arith.constant 0 : i32
      %cond3A_54 = arith.cmpi ne, %convert_element_type3A_52, %cond3A_53 : i32
      scf.if %cond3A_54 {
        %dma_wait3A_116 = arith.constant 0 : i32
        %dma_wait3A_117 = arith.constant 2048 : i32
        %dma_wait3A_118 = tpu.memref_slice %arg4[%dma_wait3A_116, %dma_wait3A_117] : memref<4096x4096xf32, #tpu.memory_space<hbm>> -> memref<8x2048xf32, #tpu.memory_space<hbm>>
        %dma_wait3A_119 = arith.constant 0 : i32
        %dma_wait3A_120 = arith.constant 2048 : i32
        %dma_wait3A_121 = tpu.memref_slice %arg4[%dma_wait3A_119, %dma_wait3A_120] : memref<4096x4096xf32, #tpu.memory_space<hbm>> -> memref<8x2048xf32, #tpu.memory_space<hbm>>
        tpu.wait_dma2 semaphore(%arg13 : memref<!tpu.dma_semaphore, #tpu.memory_space<semaphore_mem>>) src(%arg9 : memref<8x2048xf32, #tpu.memory_space<vmem>>) dst(%dma_wait3A_121 : memref<8x2048xf32, #tpu.memory_space<hbm>>)
      } else {
      }
      %parallel_loop3A_55 = arith.constant 2048 : i32
      %parallel_loop3A_56 = arith.constant 4096 : i32
      %parallel_loop3A_57 = arith.constant 16 : i32
      scf.for %parallel_loop3A_116 = %parallel_loop3A_55 to %parallel_loop3A_56 step %parallel_loop3A_57  : i32 {
        %parallel_loop3A_117 = arith.index_cast %parallel_loop3A_116 : i32 to index
        %parallel_loop3A_118 = tpu.vector_load %arg5[%parallel_loop3A_117] {strides = array<i32>} : memref<4096xi32, #tpu.memory_space<vmem>>, vector<16xi32>,
        %parallel_loop3A_119 = arith.constant 0 : i32
        %parallel_loop3A_120 = vector.broadcast %parallel_loop3A_119 : i32 to vector<16xi32>
        %parallel_loop3A_121 = tpu.vector_load_idx %arg6[%parallel_loop3A_120, %parallel_loop3A_118] : memref<8x4096xf32, #tpu.memory_space<vmem>>[vector<16xi32>, vector<16xi32>], vector<16xf32>,
        %parallel_loop3A_122 = arith.constant 2048 : i32
        %parallel_loop3A_123 = arith.subi %parallel_loop3A_116, %parallel_loop3A_122 : i32
        %parallel_loop3A_124 = arith.constant 0 : i32
        %parallel_loop3A_125 = arith.index_cast %parallel_loop3A_124 : i32 to index
        %parallel_loop3A_126 = arith.index_cast %parallel_loop3A_123 : i32 to index
        %parallel_loop3A_127 = tpu.vector_load %arg9[%parallel_loop3A_125, %parallel_loop3A_126] {strides = array<i32>} : memref<8x2048xf32, #tpu.memory_space<vmem>>, vector<16xf32>,
        tpu.vector_store %arg9[%parallel_loop3A_125, %parallel_loop3A_126], %parallel_loop3A_121 {strides = array<i32>} : memref<8x2048xf32, #tpu.memory_space<vmem>>, vector<16xf32>,
        %parallel_loop3A_128 = arith.constant 1 : i32
        %parallel_loop3A_129 = vector.broadcast %parallel_loop3A_128 : i32 to vector<16xi32>
        %parallel_loop3A_130 = tpu.vector_load_idx %arg6[%parallel_loop3A_129, %parallel_loop3A_118] : memref<8x4096xf32, #tpu.memory_space<vmem>>[vector<16xi32>, vector<16xi32>], vector<16xf32>,
        %parallel_loop3A_131 = arith.constant 2048 : i32
        %parallel_loop3A_132 = arith.subi %parallel_loop3A_116, %parallel_loop3A_131 : i32
        %parallel_loop3A_133 = arith.constant 1 : i32
        %parallel_loop3A_134 = arith.index_cast %parallel_loop3A_133 : i32 to index
        %parallel_loop3A_135 = arith.index_cast %parallel_loop3A_132 : i32 to index
        %parallel_loop3A_136 = tpu.vector_load %arg9[%parallel_loop3A_134, %parallel_loop3A_135] {strides = array<i32>} : memref<8x2048xf32, #tpu.memory_space<vmem>>, vector<16xf32>,
        tpu.vector_store %arg9[%parallel_loop3A_134, %parallel_loop3A_135], %parallel_loop3A_130 {strides = array<i32>} : memref<8x2048xf32, #tpu.memory_space<vmem>>, vector<16xf32>,
        %parallel_loop3A_137 = arith.constant 2 : i32
        %parallel_loop3A_138 = vector.broadcast %parallel_loop3A_137 : i32 to vector<16xi32>
        %parallel_loop3A_139 = tpu.vector_load_idx %arg6[%parallel_loop3A_138, %parallel_loop3A_118] : memref<8x4096xf32, #tpu.memory_space<vmem>>[vector<16xi32>, vector<16xi32>], vector<16xf32>,
        %parallel_loop3A_140 = arith.constant 2048 : i32
        %parallel_loop3A_141 = arith.subi %parallel_loop3A_116, %parallel_loop3A_140 : i32
        %parallel_loop3A_142 = arith.constant 2 : i32
        %parallel_loop3A_143 = arith.index_cast %parallel_loop3A_142 : i32 to index
        %parallel_loop3A_144 = arith.index_cast %parallel_loop3A_141 : i32 to index
        %parallel_loop3A_145 = tpu.vector_load %arg9[%parallel_loop3A_143, %parallel_loop3A_144] {strides = array<i32>} : memref<8x2048xf32, #tpu.memory_space<vmem>>, vector<16xf32>,
        tpu.vector_store %arg9[%parallel_loop3A_143, %parallel_loop3A_144], %parallel_loop3A_139 {strides = array<i32>} : memref<8x2048xf32, #tpu.memory_space<vmem>>, vector<16xf32>,
        %parallel_loop3A_146 = arith.constant 3 : i32
        %parallel_loop3A_147 = vector.broadcast %parallel_loop3A_146 : i32 to vector<16xi32>
        %parallel_loop3A_148 = tpu.vector_load_idx %arg6[%parallel_loop3A_147, %parallel_loop3A_118] : memref<8x4096xf32, #tpu.memory_space<vmem>>[vector<16xi32>, vector<16xi32>], vector<16xf32>,
        %parallel_loop3A_149 = arith.constant 2048 : i32
        %parallel_loop3A_150 = arith.subi %parallel_loop3A_116, %parallel_loop3A_149 : i32
        %parallel_loop3A_151 = arith.constant 3 : i32
        %parallel_loop3A_152 = arith.index_cast %parallel_loop3A_151 : i32 to index
        %parallel_loop3A_153 = arith.index_cast %parallel_loop3A_150 : i32 to index
        %parallel_loop3A_154 = tpu.vector_load %arg9[%parallel_loop3A_152, %parallel_loop3A_153] {strides = array<i32>} : memref<8x2048xf32, #tpu.memory_space<vmem>>, vector<16xf32>,
        tpu.vector_store %arg9[%parallel_loop3A_152, %parallel_loop3A_153], %parallel_loop3A_148 {strides = array<i32>} : memref<8x2048xf32, #tpu.memory_space<vmem>>, vector<16xf32>,
        %parallel_loop3A_155 = arith.constant 4 : i32
        %parallel_loop3A_156 = vector.broadcast %parallel_loop3A_155 : i32 to vector<16xi32>
        %parallel_loop3A_157 = tpu.vector_load_idx %arg6[%parallel_loop3A_156, %parallel_loop3A_118] : memref<8x4096xf32, #tpu.memory_space<vmem>>[vector<16xi32>, vector<16xi32>], vector<16xf32>,
        %parallel_loop3A_158 = arith.constant 2048 : i32
        %parallel_loop3A_159 = arith.subi %parallel_loop3A_116, %parallel_loop3A_158 : i32
        %parallel_loop3A_160 = arith.constant 4 : i32
        %parallel_loop3A_161 = arith.index_cast %parallel_loop3A_160 : i32 to index
        %parallel_loop3A_162 = arith.index_cast %parallel_loop3A_159 : i32 to index
        %parallel_loop3A_163 = tpu.vector_load %arg9[%parallel_loop3A_161, %parallel_loop3A_162] {strides = array<i32>} : memref<8x2048xf32, #tpu.memory_space<vmem>>, vector<16xf32>,
        tpu.vector_store %arg9[%parallel_loop3A_161, %parallel_loop3A_162], %parallel_loop3A_157 {strides = array<i32>} : memref<8x2048xf32, #tpu.memory_space<vmem>>, vector<16xf32>,
        %parallel_loop3A_164 = arith.constant 5 : i32
        %parallel_loop3A_165 = vector.broadcast %parallel_loop3A_164 : i32 to vector<16xi32>
        %parallel_loop3A_166 = tpu.vector_load_idx %arg6[%parallel_loop3A_165, %parallel_loop3A_118] : memref<8x4096xf32, #tpu.memory_space<vmem>>[vector<16xi32>, vector<16xi32>], vector<16xf32>,
        %parallel_loop3A_167 = arith.constant 2048 : i32
        %parallel_loop3A_168 = arith.subi %parallel_loop3A_116, %parallel_loop3A_167 : i32
        %parallel_loop3A_169 = arith.constant 5 : i32
        %parallel_loop3A_170 = arith.index_cast %parallel_loop3A_169 : i32 to index
        %parallel_loop3A_171 = arith.index_cast %parallel_loop3A_168 : i32 to index
        %parallel_loop3A_172 = tpu.vector_load %arg9[%parallel_loop3A_170, %parallel_loop3A_171] {strides = array<i32>} : memref<8x2048xf32, #tpu.memory_space<vmem>>, vector<16xf32>,
        tpu.vector_store %arg9[%parallel_loop3A_170, %parallel_loop3A_171], %parallel_loop3A_166 {strides = array<i32>} : memref<8x2048xf32, #tpu.memory_space<vmem>>, vector<16xf32>,
        %parallel_loop3A_173 = arith.constant 6 : i32
        %parallel_loop3A_174 = vector.broadcast %parallel_loop3A_173 : i32 to vector<16xi32>
        %parallel_loop3A_175 = tpu.vector_load_idx %arg6[%parallel_loop3A_174, %parallel_loop3A_118] : memref<8x4096xf32, #tpu.memory_space<vmem>>[vector<16xi32>, vector<16xi32>], vector<16xf32>,
        %parallel_loop3A_176 = arith.constant 2048 : i32
        %parallel_loop3A_177 = arith.subi %parallel_loop3A_116, %parallel_loop3A_176 : i32
        %parallel_loop3A_178 = arith.constant 6 : i32
        %parallel_loop3A_179 = arith.index_cast %parallel_loop3A_178 : i32 to index
        %parallel_loop3A_180 = arith.index_cast %parallel_loop3A_177 : i32 to index
        %parallel_loop3A_181 = tpu.vector_load %arg9[%parallel_loop3A_179, %parallel_loop3A_180] {strides = array<i32>} : memref<8x2048xf32, #tpu.memory_space<vmem>>, vector<16xf32>,
        tpu.vector_store %arg9[%parallel_loop3A_179, %parallel_loop3A_180], %parallel_loop3A_175 {strides = array<i32>} : memref<8x2048xf32, #tpu.memory_space<vmem>>, vector<16xf32>,
        %parallel_loop3A_182 = arith.constant 7 : i32
        %parallel_loop3A_183 = vector.broadcast %parallel_loop3A_182 : i32 to vector<16xi32>
        %parallel_loop3A_184 = tpu.vector_load_idx %arg6[%parallel_loop3A_183, %parallel_loop3A_118] : memref<8x4096xf32, #tpu.memory_space<vmem>>[vector<16xi32>, vector<16xi32>], vector<16xf32>,
        %parallel_loop3A_185 = arith.constant 2048 : i32
        %parallel_loop3A_186 = arith.subi %parallel_loop3A_116, %parallel_loop3A_185 : i32
        %parallel_loop3A_187 = arith.constant 7 : i32
        %parallel_loop3A_188 = arith.index_cast %parallel_loop3A_187 : i32 to index
        %parallel_loop3A_189 = arith.index_cast %parallel_loop3A_186 : i32 to index
        %parallel_loop3A_190 = tpu.vector_load %arg9[%parallel_loop3A_188, %parallel_loop3A_189] {strides = array<i32>} : memref<8x2048xf32, #tpu.memory_space<vmem>>, vector<16xf32>,
        tpu.vector_store %arg9[%parallel_loop3A_188, %parallel_loop3A_189], %parallel_loop3A_184 {strides = array<i32>} : memref<8x2048xf32, #tpu.memory_space<vmem>>, vector<16xf32>,
      } {sc.loop_unroll_factor = 1 : i64, sc.parallel_access}
      %mul3A_58 = arith.constant 8 : i32
      %mul3A_59 = arith.muli %mul3A_32, %mul3A_58 : i32
      %add3A_60 = arith.addi %mul3A_2, %mul3A_59 : i32
      %dma_start3A_61 = arith.constant 2048 : i32
      %dma_start3A_62 = tpu.memref_slice %arg4[%add3A_60, %dma_start3A_61] : memref<4096x4096xf32, #tpu.memory_space<hbm>> -> memref<8x2048xf32, #tpu.memory_space<hbm>>
      %dma_start3A_63 = arith.constant 2048 : i32
      %dma_start3A_64 = tpu.memref_slice %arg4[%add3A_60, %dma_start3A_63] : memref<4096x4096xf32, #tpu.memory_space<hbm>> -> memref<8x2048xf32, #tpu.memory_space<hbm>>
      tpu.enqueue_dma source(%arg9 : memref<8x2048xf32, #tpu.memory_space<vmem>>) target(%dma_start3A_64 : memref<8x2048xf32, #tpu.memory_space<hbm>>) target_semaphore(%arg13 : memref<!tpu.dma_semaphore, #tpu.memory_space<semaphore_mem>>)
      %lt3A = arith.constant 7 : i32
      %lt3A_65 = arith.cmpi slt, %scan3A_30, %lt3A : i32
      %convert_element_type3A_66 = arith.extui %lt3A_65 : i1 to i32
      %cond3A_67 = arith.constant 0 : i32
      %cond3A_68 = arith.cmpi ne, %convert_element_type3A_66, %cond3A_67 : i32
      scf.if %cond3A_68 {
        %add3A_116 = arith.constant 2 : i32
        %add3A_117 = arith.addi %mul3A_32, %add3A_116 : i32
        %mul3A_118 = arith.constant 8 : i32
        %mul3A_119 = arith.muli %add3A_117, %mul3A_118 : i32
        %add3A_120 = arith.addi %mul3A_2, %mul3A_119 : i32
        %dma_start3A_121 = arith.constant 0 : i32
        %dma_start3A_122 = tpu.memref_slice %arg2[%add3A_120, %dma_start3A_121] : memref<4096x4096xf32, #tpu.memory_space<hbm>> -> memref<8x4096xf32, #tpu.memory_space<hbm>>
        %dma_start3A_123 = arith.constant 0 : i32
        %dma_start3A_124 = tpu.memref_slice %arg2[%add3A_120, %dma_start3A_123] : memref<4096x4096xf32, #tpu.memory_space<hbm>> -> memref<8x4096xf32, #tpu.memory_space<hbm>>
        tpu.enqueue_dma source(%dma_start3A_124 : memref<8x4096xf32, #tpu.memory_space<hbm>>) target(%arg6 : memref<8x4096xf32, #tpu.memory_space<vmem>>) target_semaphore(%arg10 : memref<!tpu.dma_semaphore, #tpu.memory_space<semaphore_mem>>)
      } else {
      }
      %dma_wait3A_69 = arith.constant 0 : i32
      %dma_wait3A_70 = arith.constant 0 : i32
      %dma_wait3A_71 = tpu.memref_slice %arg2[%dma_wait3A_69, %dma_wait3A_70] : memref<4096x4096xf32, #tpu.memory_space<hbm>> -> memref<8x4096xf32, #tpu.memory_space<hbm>>
      %dma_wait3A_72 = arith.constant 0 : i32
      %dma_wait3A_73 = arith.constant 0 : i32
      %dma_wait3A_74 = tpu.memref_slice %arg2[%dma_wait3A_72, %dma_wait3A_73] : memref<4096x4096xf32, #tpu.memory_space<hbm>> -> memref<8x4096xf32, #tpu.memory_space<hbm>>
      tpu.wait_dma2 semaphore(%arg11 : memref<!tpu.dma_semaphore, #tpu.memory_space<semaphore_mem>>) src(%dma_wait3A_74 : memref<8x4096xf32, #tpu.memory_space<hbm>>) dst(%arg7 : memref<8x4096xf32, #tpu.memory_space<vmem>>)
      %dma_wait3A_75 = arith.constant 0 : i32
      %dma_wait3A_76 = arith.constant 0 : i32
      %dma_wait3A_77 = tpu.memref_slice %arg4[%dma_wait3A_75, %dma_wait3A_76] : memref<4096x4096xf32, #tpu.memory_space<hbm>> -> memref<8x2048xf32, #tpu.memory_space<hbm>>
      %dma_wait3A_78 = arith.constant 0 : i32
      %dma_wait3A_79 = arith.constant 0 : i32
      %dma_wait3A_80 = tpu.memref_slice %arg4[%dma_wait3A_78, %dma_wait3A_79] : memref<4096x4096xf32, #tpu.memory_space<hbm>> -> memref<8x2048xf32, #tpu.memory_space<hbm>>
      tpu.wait_dma2 semaphore(%arg12 : memref<!tpu.dma_semaphore, #tpu.memory_space<semaphore_mem>>) src(%arg8 : memref<8x2048xf32, #tpu.memory_space<vmem>>) dst(%dma_wait3A_80 : memref<8x2048xf32, #tpu.memory_space<hbm>>)
      %parallel_loop3A_81 = arith.constant 0 : i32
      %parallel_loop3A_82 = arith.constant 2048 : i32
      %parallel_loop3A_83 = arith.constant 16 : i32
      scf.for %parallel_loop3A_116 = %parallel_loop3A_81 to %parallel_loop3A_82 step %parallel_loop3A_83  : i32 {
        %parallel_loop3A_117 = arith.index_cast %parallel_loop3A_116 : i32 to index
        %parallel_loop3A_118 = tpu.vector_load %arg5[%parallel_loop3A_117] {strides = array<i32>} : memref<4096xi32, #tpu.memory_space<vmem>>, vector<16xi32>,
        %parallel_loop3A_119 = arith.constant 0 : i32
        %parallel_loop3A_120 = vector.broadcast %parallel_loop3A_119 : i32 to vector<16xi32>
        %parallel_loop3A_121 = tpu.vector_load_idx %arg7[%parallel_loop3A_120, %parallel_loop3A_118] : memref<8x4096xf32, #tpu.memory_space<vmem>>[vector<16xi32>, vector<16xi32>], vector<16xf32>,
        %parallel_loop3A_122 = arith.constant 0 : i32
        %parallel_loop3A_123 = arith.subi %parallel_loop3A_116, %parallel_loop3A_122 : i32
        %parallel_loop3A_124 = arith.constant 0 : i32
        %parallel_loop3A_125 = arith.index_cast %parallel_loop3A_124 : i32 to index
        %parallel_loop3A_126 = arith.index_cast %parallel_loop3A_123 : i32 to index
        %parallel_loop3A_127 = tpu.vector_load %arg8[%parallel_loop3A_125, %parallel_loop3A_126] {strides = array<i32>} : memref<8x2048xf32, #tpu.memory_space<vmem>>, vector<16xf32>,
        tpu.vector_store %arg8[%parallel_loop3A_125, %parallel_loop3A_126], %parallel_loop3A_121 {strides = array<i32>} : memref<8x2048xf32, #tpu.memory_space<vmem>>, vector<16xf32>,
        %parallel_loop3A_128 = arith.constant 1 : i32
        %parallel_loop3A_129 = vector.broadcast %parallel_loop3A_128 : i32 to vector<16xi32>
        %parallel_loop3A_130 = tpu.vector_load_idx %arg7[%parallel_loop3A_129, %parallel_loop3A_118] : memref<8x4096xf32, #tpu.memory_space<vmem>>[vector<16xi32>, vector<16xi32>], vector<16xf32>,
        %parallel_loop3A_131 = arith.constant 0 : i32
        %parallel_loop3A_132 = arith.subi %parallel_loop3A_116, %parallel_loop3A_131 : i32
        %parallel_loop3A_133 = arith.constant 1 : i32
        %parallel_loop3A_134 = arith.index_cast %parallel_loop3A_133 : i32 to index
        %parallel_loop3A_135 = arith.index_cast %parallel_loop3A_132 : i32 to index
        %parallel_loop3A_136 = tpu.vector_load %arg8[%parallel_loop3A_134, %parallel_loop3A_135] {strides = array<i32>} : memref<8x2048xf32, #tpu.memory_space<vmem>>, vector<16xf32>,
        tpu.vector_store %arg8[%parallel_loop3A_134, %parallel_loop3A_135], %parallel_loop3A_130 {strides = array<i32>} : memref<8x2048xf32, #tpu.memory_space<vmem>>, vector<16xf32>,
        %parallel_loop3A_137 = arith.constant 2 : i32
        %parallel_loop3A_138 = vector.broadcast %parallel_loop3A_137 : i32 to vector<16xi32>
        %parallel_loop3A_139 = tpu.vector_load_idx %arg7[%parallel_loop3A_138, %parallel_loop3A_118] : memref<8x4096xf32, #tpu.memory_space<vmem>>[vector<16xi32>, vector<16xi32>], vector<16xf32>,
        %parallel_loop3A_140 = arith.constant 0 : i32
        %parallel_loop3A_141 = arith.subi %parallel_loop3A_116, %parallel_loop3A_140 : i32
        %parallel_loop3A_142 = arith.constant 2 : i32
        %parallel_loop3A_143 = arith.index_cast %parallel_loop3A_142 : i32 to index
        %parallel_loop3A_144 = arith.index_cast %parallel_loop3A_141 : i32 to index
        %parallel_loop3A_145 = tpu.vector_load %arg8[%parallel_loop3A_143, %parallel_loop3A_144] {strides = array<i32>} : memref<8x2048xf32, #tpu.memory_space<vmem>>, vector<16xf32>,
        tpu.vector_store %arg8[%parallel_loop3A_143, %parallel_loop3A_144], %parallel_loop3A_139 {strides = array<i32>} : memref<8x2048xf32, #tpu.memory_space<vmem>>, vector<16xf32>,
        %parallel_loop3A_146 = arith.constant 3 : i32
        %parallel_loop3A_147 = vector.broadcast %parallel_loop3A_146 : i32 to vector<16xi32>
        %parallel_loop3A_148 = tpu.vector_load_idx %arg7[%parallel_loop3A_147, %parallel_loop3A_118] : memref<8x4096xf32, #tpu.memory_space<vmem>>[vector<16xi32>, vector<16xi32>], vector<16xf32>,
        %parallel_loop3A_149 = arith.constant 0 : i32
        %parallel_loop3A_150 = arith.subi %parallel_loop3A_116, %parallel_loop3A_149 : i32
        %parallel_loop3A_151 = arith.constant 3 : i32
        %parallel_loop3A_152 = arith.index_cast %parallel_loop3A_151 : i32 to index
        %parallel_loop3A_153 = arith.index_cast %parallel_loop3A_150 : i32 to index
        %parallel_loop3A_154 = tpu.vector_load %arg8[%parallel_loop3A_152, %parallel_loop3A_153] {strides = array<i32>} : memref<8x2048xf32, #tpu.memory_space<vmem>>, vector<16xf32>,
        tpu.vector_store %arg8[%parallel_loop3A_152, %parallel_loop3A_153], %parallel_loop3A_148 {strides = array<i32>} : memref<8x2048xf32, #tpu.memory_space<vmem>>, vector<16xf32>,
        %parallel_loop3A_155 = arith.constant 4 : i32
        %parallel_loop3A_156 = vector.broadcast %parallel_loop3A_155 : i32 to vector<16xi32>
        %parallel_loop3A_157 = tpu.vector_load_idx %arg7[%parallel_loop3A_156, %parallel_loop3A_118] : memref<8x4096xf32, #tpu.memory_space<vmem>>[vector<16xi32>, vector<16xi32>], vector<16xf32>,
        %parallel_loop3A_158 = arith.constant 0 : i32
        %parallel_loop3A_159 = arith.subi %parallel_loop3A_116, %parallel_loop3A_158 : i32
        %parallel_loop3A_160 = arith.constant 4 : i32
        %parallel_loop3A_161 = arith.index_cast %parallel_loop3A_160 : i32 to index
        %parallel_loop3A_162 = arith.index_cast %parallel_loop3A_159 : i32 to index
        %parallel_loop3A_163 = tpu.vector_load %arg8[%parallel_loop3A_161, %parallel_loop3A_162] {strides = array<i32>} : memref<8x2048xf32, #tpu.memory_space<vmem>>, vector<16xf32>,
        tpu.vector_store %arg8[%parallel_loop3A_161, %parallel_loop3A_162], %parallel_loop3A_157 {strides = array<i32>} : memref<8x2048xf32, #tpu.memory_space<vmem>>, vector<16xf32>,
        %parallel_loop3A_164 = arith.constant 5 : i32
        %parallel_loop3A_165 = vector.broadcast %parallel_loop3A_164 : i32 to vector<16xi32>
        %parallel_loop3A_166 = tpu.vector_load_idx %arg7[%parallel_loop3A_165, %parallel_loop3A_118] : memref<8x4096xf32, #tpu.memory_space<vmem>>[vector<16xi32>, vector<16xi32>], vector<16xf32>,
        %parallel_loop3A_167 = arith.constant 0 : i32
        %parallel_loop3A_168 = arith.subi %parallel_loop3A_116, %parallel_loop3A_167 : i32
        %parallel_loop3A_169 = arith.constant 5 : i32
        %parallel_loop3A_170 = arith.index_cast %parallel_loop3A_169 : i32 to index
        %parallel_loop3A_171 = arith.index_cast %parallel_loop3A_168 : i32 to index
        %parallel_loop3A_172 = tpu.vector_load %arg8[%parallel_loop3A_170, %parallel_loop3A_171] {strides = array<i32>} : memref<8x2048xf32, #tpu.memory_space<vmem>>, vector<16xf32>,
        tpu.vector_store %arg8[%parallel_loop3A_170, %parallel_loop3A_171], %parallel_loop3A_166 {strides = array<i32>} : memref<8x2048xf32, #tpu.memory_space<vmem>>, vector<16xf32>,
        %parallel_loop3A_173 = arith.constant 6 : i32
        %parallel_loop3A_174 = vector.broadcast %parallel_loop3A_173 : i32 to vector<16xi32>
        %parallel_loop3A_175 = tpu.vector_load_idx %arg7[%parallel_loop3A_174, %parallel_loop3A_118] : memref<8x4096xf32, #tpu.memory_space<vmem>>[vector<16xi32>, vector<16xi32>], vector<16xf32>,
        %parallel_loop3A_176 = arith.constant 0 : i32
        %parallel_loop3A_177 = arith.subi %parallel_loop3A_116, %parallel_loop3A_176 : i32
        %parallel_loop3A_178 = arith.constant 6 : i32
        %parallel_loop3A_179 = arith.index_cast %parallel_loop3A_178 : i32 to index
        %parallel_loop3A_180 = arith.index_cast %parallel_loop3A_177 : i32 to index
        %parallel_loop3A_181 = tpu.vector_load %arg8[%parallel_loop3A_179, %parallel_loop3A_180] {strides = array<i32>} : memref<8x2048xf32, #tpu.memory_space<vmem>>, vector<16xf32>,
        tpu.vector_store %arg8[%parallel_loop3A_179, %parallel_loop3A_180], %parallel_loop3A_175 {strides = array<i32>} : memref<8x2048xf32, #tpu.memory_space<vmem>>, vector<16xf32>,
        %parallel_loop3A_182 = arith.constant 7 : i32
        %parallel_loop3A_183 = vector.broadcast %parallel_loop3A_182 : i32 to vector<16xi32>
        %parallel_loop3A_184 = tpu.vector_load_idx %arg7[%parallel_loop3A_183, %parallel_loop3A_118] : memref<8x4096xf32, #tpu.memory_space<vmem>>[vector<16xi32>, vector<16xi32>], vector<16xf32>,
        %parallel_loop3A_185 = arith.constant 0 : i32
        %parallel_loop3A_186 = arith.subi %parallel_loop3A_116, %parallel_loop3A_185 : i32
        %parallel_loop3A_187 = arith.constant 7 : i32
        %parallel_loop3A_188 = arith.index_cast %parallel_loop3A_187 : i32 to index
        %parallel_loop3A_189 = arith.index_cast %parallel_loop3A_186 : i32 to index
        %parallel_loop3A_190 = tpu.vector_load %arg8[%parallel_loop3A_188, %parallel_loop3A_189] {strides = array<i32>} : memref<8x2048xf32, #tpu.memory_space<vmem>>, vector<16xf32>,
        tpu.vector_store %arg8[%parallel_loop3A_188, %parallel_loop3A_189], %parallel_loop3A_184 {strides = array<i32>} : memref<8x2048xf32, #tpu.memory_space<vmem>>, vector<16xf32>,
      } {sc.loop_unroll_factor = 1 : i64, sc.parallel_access}
      %add3A_84 = arith.constant 1 : i32
      %add3A_85 = arith.addi %mul3A_32, %add3A_84 : i32
      %mul3A_86 = arith.constant 8 : i32
      %mul3A_87 = arith.muli %add3A_85, %mul3A_86 : i32
      %add3A_88 = arith.addi %mul3A_2, %mul3A_87 : i32
      %dma_start3A_89 = arith.constant 0 : i32
      %dma_start3A_90 = tpu.memref_slice %arg4[%add3A_88, %dma_start3A_89] : memref<4096x4096xf32, #tpu.memory_space<hbm>> -> memref<8x2048xf32, #tpu.memory_space<hbm>>
      %dma_start3A_91 = arith.constant 0 : i32
      %dma_start3A_92 = tpu.memref_slice %arg4[%add3A_88, %dma_start3A_91] : memref<4096x4096xf32, #tpu.memory_space<hbm>> -> memref<8x2048xf32, #tpu.memory_space<hbm>>
      tpu.enqueue_dma source(%arg8 : memref<8x2048xf32, #tpu.memory_space<vmem>>) target(%dma_start3A_92 : memref<8x2048xf32, #tpu.memory_space<hbm>>) target_semaphore(%arg12 : memref<!tpu.dma_semaphore, #tpu.memory_space<semaphore_mem>>)
      %dma_wait3A_93 = arith.constant 0 : i32
      %dma_wait3A_94 = arith.constant 2048 : i32
      %dma_wait3A_95 = tpu.memref_slice %arg4[%dma_wait3A_93, %dma_wait3A_94] : memref<4096x4096xf32, #tpu.memory_space<hbm>> -> memref<8x2048xf32, #tpu.memory_space<hbm>>
      %dma_wait3A_96 = arith.constant 0 : i32
      %dma_wait3A_97 = arith.constant 2048 : i32
      %dma_wait3A_98 = tpu.memref_slice %arg4[%dma_wait3A_96, %dma_wait3A_97] : memref<4096x4096xf32, #tpu.memory_space<hbm>> -> memref<8x2048xf32, #tpu.memory_space<hbm>>
      tpu.wait_dma2 semaphore(%arg13 : memref<!tpu.dma_semaphore, #tpu.memory_space<semaphore_mem>>) src(%arg9 : memref<8x2048xf32, #tpu.memory_space<vmem>>) dst(%dma_wait3A_98 : memref<8x2048xf32, #tpu.memory_space<hbm>>)
      %parallel_loop3A_99 = arith.constant 2048 : i32
      %parallel_loop3A_100 = arith.constant 4096 : i32
      %parallel_loop3A_101 = arith.constant 16 : i32
      scf.for %parallel_loop3A_116 = %parallel_loop3A_99 to %parallel_loop3A_100 step %parallel_loop3A_101  : i32 {
        %parallel_loop3A_117 = arith.index_cast %parallel_loop3A_116 : i32 to index
        %parallel_loop3A_118 = tpu.vector_load %arg5[%parallel_loop3A_117] {strides = array<i32>} : memref<4096xi32, #tpu.memory_space<vmem>>, vector<16xi32>,
        %parallel_loop3A_119 = arith.constant 0 : i32
        %parallel_loop3A_120 = vector.broadcast %parallel_loop3A_119 : i32 to vector<16xi32>
        %parallel_loop3A_121 = tpu.vector_load_idx %arg7[%parallel_loop3A_120, %parallel_loop3A_118] : memref<8x4096xf32, #tpu.memory_space<vmem>>[vector<16xi32>, vector<16xi32>], vector<16xf32>,
        %parallel_loop3A_122 = arith.constant 2048 : i32
        %parallel_loop3A_123 = arith.subi %parallel_loop3A_116, %parallel_loop3A_122 : i32
        %parallel_loop3A_124 = arith.constant 0 : i32
        %parallel_loop3A_125 = arith.index_cast %parallel_loop3A_124 : i32 to index
        %parallel_loop3A_126 = arith.index_cast %parallel_loop3A_123 : i32 to index
        %parallel_loop3A_127 = tpu.vector_load %arg9[%parallel_loop3A_125, %parallel_loop3A_126] {strides = array<i32>} : memref<8x2048xf32, #tpu.memory_space<vmem>>, vector<16xf32>,
        tpu.vector_store %arg9[%parallel_loop3A_125, %parallel_loop3A_126], %parallel_loop3A_121 {strides = array<i32>} : memref<8x2048xf32, #tpu.memory_space<vmem>>, vector<16xf32>,
        %parallel_loop3A_128 = arith.constant 1 : i32
        %parallel_loop3A_129 = vector.broadcast %parallel_loop3A_128 : i32 to vector<16xi32>
        %parallel_loop3A_130 = tpu.vector_load_idx %arg7[%parallel_loop3A_129, %parallel_loop3A_118] : memref<8x4096xf32, #tpu.memory_space<vmem>>[vector<16xi32>, vector<16xi32>], vector<16xf32>,
        %parallel_loop3A_131 = arith.constant 2048 : i32
        %parallel_loop3A_132 = arith.subi %parallel_loop3A_116, %parallel_loop3A_131 : i32
        %parallel_loop3A_133 = arith.constant 1 : i32
        %parallel_loop3A_134 = arith.index_cast %parallel_loop3A_133 : i32 to index
        %parallel_loop3A_135 = arith.index_cast %parallel_loop3A_132 : i32 to index
        %parallel_loop3A_136 = tpu.vector_load %arg9[%parallel_loop3A_134, %parallel_loop3A_135] {strides = array<i32>} : memref<8x2048xf32, #tpu.memory_space<vmem>>, vector<16xf32>,
        tpu.vector_store %arg9[%parallel_loop3A_134, %parallel_loop3A_135], %parallel_loop3A_130 {strides = array<i32>} : memref<8x2048xf32, #tpu.memory_space<vmem>>, vector<16xf32>,
        %parallel_loop3A_137 = arith.constant 2 : i32
        %parallel_loop3A_138 = vector.broadcast %parallel_loop3A_137 : i32 to vector<16xi32>
        %parallel_loop3A_139 = tpu.vector_load_idx %arg7[%parallel_loop3A_138, %parallel_loop3A_118] : memref<8x4096xf32, #tpu.memory_space<vmem>>[vector<16xi32>, vector<16xi32>], vector<16xf32>,
        %parallel_loop3A_140 = arith.constant 2048 : i32
        %parallel_loop3A_141 = arith.subi %parallel_loop3A_116, %parallel_loop3A_140 : i32
        %parallel_loop3A_142 = arith.constant 2 : i32
        %parallel_loop3A_143 = arith.index_cast %parallel_loop3A_142 : i32 to index
        %parallel_loop3A_144 = arith.index_cast %parallel_loop3A_141 : i32 to index
        %parallel_loop3A_145 = tpu.vector_load %arg9[%parallel_loop3A_143, %parallel_loop3A_144] {strides = array<i32>} : memref<8x2048xf32, #tpu.memory_space<vmem>>, vector<16xf32>,
        tpu.vector_store %arg9[%parallel_loop3A_143, %parallel_loop3A_144], %parallel_loop3A_139 {strides = array<i32>} : memref<8x2048xf32, #tpu.memory_space<vmem>>, vector<16xf32>,
        %parallel_loop3A_146 = arith.constant 3 : i32
        %parallel_loop3A_147 = vector.broadcast %parallel_loop3A_146 : i32 to vector<16xi32>
        %parallel_loop3A_148 = tpu.vector_load_idx %arg7[%parallel_loop3A_147, %parallel_loop3A_118] : memref<8x4096xf32, #tpu.memory_space<vmem>>[vector<16xi32>, vector<16xi32>], vector<16xf32>,
        %parallel_loop3A_149 = arith.constant 2048 : i32
        %parallel_loop3A_150 = arith.subi %parallel_loop3A_116, %parallel_loop3A_149 : i32
        %parallel_loop3A_151 = arith.constant 3 : i32
        %parallel_loop3A_152 = arith.index_cast %parallel_loop3A_151 : i32 to index
        %parallel_loop3A_153 = arith.index_cast %parallel_loop3A_150 : i32 to index
        %parallel_loop3A_154 = tpu.vector_load %arg9[%parallel_loop3A_152, %parallel_loop3A_153] {strides = array<i32>} : memref<8x2048xf32, #tpu.memory_space<vmem>>, vector<16xf32>,
        tpu.vector_store %arg9[%parallel_loop3A_152, %parallel_loop3A_153], %parallel_loop3A_148 {strides = array<i32>} : memref<8x2048xf32, #tpu.memory_space<vmem>>, vector<16xf32>,
        %parallel_loop3A_155 = arith.constant 4 : i32
        %parallel_loop3A_156 = vector.broadcast %parallel_loop3A_155 : i32 to vector<16xi32>
        %parallel_loop3A_157 = tpu.vector_load_idx %arg7[%parallel_loop3A_156, %parallel_loop3A_118] : memref<8x4096xf32, #tpu.memory_space<vmem>>[vector<16xi32>, vector<16xi32>], vector<16xf32>,
        %parallel_loop3A_158 = arith.constant 2048 : i32
        %parallel_loop3A_159 = arith.subi %parallel_loop3A_116, %parallel_loop3A_158 : i32
        %parallel_loop3A_160 = arith.constant 4 : i32
        %parallel_loop3A_161 = arith.index_cast %parallel_loop3A_160 : i32 to index
        %parallel_loop3A_162 = arith.index_cast %parallel_loop3A_159 : i32 to index
        %parallel_loop3A_163 = tpu.vector_load %arg9[%parallel_loop3A_161, %parallel_loop3A_162] {strides = array<i32>} : memref<8x2048xf32, #tpu.memory_space<vmem>>, vector<16xf32>,
        tpu.vector_store %arg9[%parallel_loop3A_161, %parallel_loop3A_162], %parallel_loop3A_157 {strides = array<i32>} : memref<8x2048xf32, #tpu.memory_space<vmem>>, vector<16xf32>,
        %parallel_loop3A_164 = arith.constant 5 : i32
        %parallel_loop3A_165 = vector.broadcast %parallel_loop3A_164 : i32 to vector<16xi32>
        %parallel_loop3A_166 = tpu.vector_load_idx %arg7[%parallel_loop3A_165, %parallel_loop3A_118] : memref<8x4096xf32, #tpu.memory_space<vmem>>[vector<16xi32>, vector<16xi32>], vector<16xf32>,
        %parallel_loop3A_167 = arith.constant 2048 : i32
        %parallel_loop3A_168 = arith.subi %parallel_loop3A_116, %parallel_loop3A_167 : i32
        %parallel_loop3A_169 = arith.constant 5 : i32
        %parallel_loop3A_170 = arith.index_cast %parallel_loop3A_169 : i32 to index
        %parallel_loop3A_171 = arith.index_cast %parallel_loop3A_168 : i32 to index
        %parallel_loop3A_172 = tpu.vector_load %arg9[%parallel_loop3A_170, %parallel_loop3A_171] {strides = array<i32>} : memref<8x2048xf32, #tpu.memory_space<vmem>>, vector<16xf32>,
        tpu.vector_store %arg9[%parallel_loop3A_170, %parallel_loop3A_171], %parallel_loop3A_166 {strides = array<i32>} : memref<8x2048xf32, #tpu.memory_space<vmem>>, vector<16xf32>,
        %parallel_loop3A_173 = arith.constant 6 : i32
        %parallel_loop3A_174 = vector.broadcast %parallel_loop3A_173 : i32 to vector<16xi32>
        %parallel_loop3A_175 = tpu.vector_load_idx %arg7[%parallel_loop3A_174, %parallel_loop3A_118] : memref<8x4096xf32, #tpu.memory_space<vmem>>[vector<16xi32>, vector<16xi32>], vector<16xf32>,
        %parallel_loop3A_176 = arith.constant 2048 : i32
        %parallel_loop3A_177 = arith.subi %parallel_loop3A_116, %parallel_loop3A_176 : i32
        %parallel_loop3A_178 = arith.constant 6 : i32
        %parallel_loop3A_179 = arith.index_cast %parallel_loop3A_178 : i32 to index
        %parallel_loop3A_180 = arith.index_cast %parallel_loop3A_177 : i32 to index
        %parallel_loop3A_181 = tpu.vector_load %arg9[%parallel_loop3A_179, %parallel_loop3A_180] {strides = array<i32>} : memref<8x2048xf32, #tpu.memory_space<vmem>>, vector<16xf32>,
        tpu.vector_store %arg9[%parallel_loop3A_179, %parallel_loop3A_180], %parallel_loop3A_175 {strides = array<i32>} : memref<8x2048xf32, #tpu.memory_space<vmem>>, vector<16xf32>,
        %parallel_loop3A_182 = arith.constant 7 : i32
        %parallel_loop3A_183 = vector.broadcast %parallel_loop3A_182 : i32 to vector<16xi32>
        %parallel_loop3A_184 = tpu.vector_load_idx %arg7[%parallel_loop3A_183, %parallel_loop3A_118] : memref<8x4096xf32, #tpu.memory_space<vmem>>[vector<16xi32>, vector<16xi32>], vector<16xf32>,
        %parallel_loop3A_185 = arith.constant 2048 : i32
        %parallel_loop3A_186 = arith.subi %parallel_loop3A_116, %parallel_loop3A_185 : i32
        %parallel_loop3A_187 = arith.constant 7 : i32
        %parallel_loop3A_188 = arith.index_cast %parallel_loop3A_187 : i32 to index
        %parallel_loop3A_189 = arith.index_cast %parallel_loop3A_186 : i32 to index
        %parallel_loop3A_190 = tpu.vector_load %arg9[%parallel_loop3A_188, %parallel_loop3A_189] {strides = array<i32>} : memref<8x2048xf32, #tpu.memory_space<vmem>>, vector<16xf32>,
        tpu.vector_store %arg9[%parallel_loop3A_188, %parallel_loop3A_189], %parallel_loop3A_184 {strides = array<i32>} : memref<8x2048xf32, #tpu.memory_space<vmem>>, vector<16xf32>,
      } {sc.loop_unroll_factor = 1 : i64, sc.parallel_access}
      %add3A_102 = arith.constant 1 : i32
      %add3A_103 = arith.addi %mul3A_32, %add3A_102 : i32
      %mul3A_104 = arith.constant 8 : i32
      %mul3A_105 = arith.muli %add3A_103, %mul3A_104 : i32
      %add3A_106 = arith.addi %mul3A_2, %mul3A_105 : i32
      %dma_start3A_107 = arith.constant 2048 : i32
      %dma_start3A_108 = tpu.memref_slice %arg4[%add3A_106, %dma_start3A_107] : memref<4096x4096xf32, #tpu.memory_space<hbm>> -> memref<8x2048xf32, #tpu.memory_space<hbm>>
      %dma_start3A_109 = arith.constant 2048 : i32
      %dma_start3A_110 = tpu.memref_slice %arg4[%add3A_106, %dma_start3A_109] : memref<4096x4096xf32, #tpu.memory_space<hbm>> -> memref<8x2048xf32, #tpu.memory_space<hbm>>
      tpu.enqueue_dma source(%arg9 : memref<8x2048xf32, #tpu.memory_space<vmem>>) target(%dma_start3A_110 : memref<8x2048xf32, #tpu.memory_space<hbm>>) target_semaphore(%arg13 : memref<!tpu.dma_semaphore, #tpu.memory_space<semaphore_mem>>)
      %lt3A_111 = arith.constant 7 : i32
      %lt3A_112 = arith.cmpi slt, %scan3A_30, %lt3A_111 : i32
      %convert_element_type3A_113 = arith.extui %lt3A_112 : i1 to i32
      %cond3A_114 = arith.constant 0 : i32
      %cond3A_115 = arith.cmpi ne, %convert_element_type3A_113, %cond3A_114 : i32
      scf.if %cond3A_115 {
        %add3A_116 = arith.constant 3 : i32
        %add3A_117 = arith.addi %mul3A_32, %add3A_116 : i32
        %mul3A_118 = arith.constant 8 : i32
        %mul3A_119 = arith.muli %add3A_117, %mul3A_118 : i32
        %add3A_120 = arith.addi %mul3A_2, %mul3A_119 : i32
        %dma_start3A_121 = arith.constant 0 : i32
        %dma_start3A_122 = tpu.memref_slice %arg2[%add3A_120, %dma_start3A_121] : memref<4096x4096xf32, #tpu.memory_space<hbm>> -> memref<8x4096xf32, #tpu.memory_space<hbm>>
        %dma_start3A_123 = arith.constant 0 : i32
        %dma_start3A_124 = tpu.memref_slice %arg2[%add3A_120, %dma_start3A_123] : memref<4096x4096xf32, #tpu.memory_space<hbm>> -> memref<8x4096xf32, #tpu.memory_space<hbm>>
        tpu.enqueue_dma source(%dma_start3A_124 : memref<8x4096xf32, #tpu.memory_space<hbm>>) target(%arg7 : memref<8x4096xf32, #tpu.memory_space<vmem>>) target_semaphore(%arg11 : memref<!tpu.dma_semaphore, #tpu.memory_space<semaphore_mem>>)
      } else {
      }
    }
    %scan3A_18 = arith.constant 8 : i32
    %dma_wait3A = arith.constant 0 : i32
    %dma_wait3A_19 = arith.constant 0 : i32
    %dma_wait3A_20 = tpu.memref_slice %arg4[%dma_wait3A, %dma_wait3A_19] : memref<4096x4096xf32, #tpu.memory_space<hbm>> -> memref<8x2048xf32, #tpu.memory_space<hbm>>
    %dma_wait3A_21 = arith.constant 0 : i32
    %dma_wait3A_22 = arith.constant 0 : i32
    %dma_wait3A_23 = tpu.memref_slice %arg4[%dma_wait3A_21, %dma_wait3A_22] : memref<4096x4096xf32, #tpu.memory_space<hbm>> -> memref<8x2048xf32, #tpu.memory_space<hbm>>
    tpu.wait_dma2 semaphore(%arg12 : memref<!tpu.dma_semaphore, #tpu.memory_space<semaphore_mem>>) src(%arg8 : memref<8x2048xf32, #tpu.memory_space<vmem>>) dst(%dma_wait3A_23 : memref<8x2048xf32, #tpu.memory_space<hbm>>)
    %dma_wait3A_24 = arith.constant 0 : i32
    %dma_wait3A_25 = arith.constant 2048 : i32
    %dma_wait3A_26 = tpu.memref_slice %arg4[%dma_wait3A_24, %dma_wait3A_25] : memref<4096x4096xf32, #tpu.memory_space<hbm>> -> memref<8x2048xf32, #tpu.memory_space<hbm>>
    %dma_wait3A_27 = arith.constant 0 : i32
    %dma_wait3A_28 = arith.constant 2048 : i32
    %dma_wait3A_29 = tpu.memref_slice %arg4[%dma_wait3A_27, %dma_wait3A_28] : memref<4096x4096xf32, #tpu.memory_space<hbm>> -> memref<8x2048xf32, #tpu.memory_space<hbm>>
    tpu.wait_dma2 semaphore(%arg13 : memref<!tpu.dma_semaphore, #tpu.memory_space<semaphore_mem>>) src(%arg9 : memref<8x2048xf32, #tpu.memory_space<vmem>>) dst(%dma_wait3A_29 : memref<8x2048xf32, #tpu.memory_space<hbm>>)
    return
  }
}

</mosaic_0001>

<sc_bundles>
// kernel: kernel.3.cloned.1.call-start
scs
__scs_entry_jumppad:
0x0: {  	(pc) =	sbr.rel $0x88, $3  }
0x1: {  	(tag) =	ssettag $0x0;
	lr =	simm.s32 $0x1  }
0x2: {  	[smem:$0x3F9F] =	sst lr;
	_ =	strace $0xD0000000  }
0x3: {  	_ = 	snop  }
0x4: {  	_ = 	snop  }
0x5: {  	_ = 	snop  }
0x6: {  	_ = 	snop  }
0x7: {  	_ = 	snop  }
__scs_overlays_trampoline_lowered:
0x8: {  	[smem:$0x3FAE] =	sst s0  }
0x9: {  	[smem:$0x3FAF] =	sst s1  }
0xa: {  	[smem:$0x3FB0] =	sst s2  }
0xb: {  	[smem:$0x3FB1] =	sst s3  }
0xc: {  	[smem:$0x3FB2] =	sst s4  }
0xd: {  	[smem:$0x3FB3] =	sst s5  }
0xe: {  	[smem:$0x3FB4] =	sst s6  }
0xf: {  	[smem:$0x3FB5] =	sst s7  }
0x10: {  	[smem:$0x3FB6] =	sst s8  }
0x11: {  	[smem:$0x3FB7] =	sst s9;
	s0 =	simm.s32 @!p0 $0x0  }
0x12: {  	s1 =	sld [smem:$0x3F9D];
	s0 =	simm.s32 @p0 $0x1  }
0x13: {  	[smem:$0x3FB8] =	sst s0;
	s0 =	simm.s32 @!p1 $0x0  }
0x14: {  	s2 =	sld [smem:$0x3F9C];
	s0 =	simm.s32 @p1 $0x1  }
0x15: {  	[smem:$0x3FB9] =	sst s0;
	s0 =	simm.s32 @!p2 $0x0  }
0x16: {  	s3 =	sld [smem:$0x3FDB];
	s0 =	simm.s32 @p2 $0x1  }
0x17: {  	s4 =	simm.s32 $0x1BF5;
	[smem:$0x3FBB] =	sst s0  }
0x18: {  	s0 =	sld [smem:$0x3F9E];
	_ =	swait.ge [sflag:s4], $0x0  }
0x19: {  	s7 =	sld [smem:$0x3F9F]  }
0x1a: {  	s8 =	sadd.s32 $0xFFFFE003, lr  }
0x1b: {  	s9 =	sadd.s32 $0xFFFFFEF7, lr;
	s5 =	simm.s32 $0xFFFFFFFF;
	p2 =	slt.u32 s8, $0xFFFFF086  }
0x1c: {  	p1 =	slt.u32 s9, $0xF7A;
	s5 =	simm.s32 @!p2 $0x0  }
0x1d: {  	s5 =	simm.s32 @p1 $0x1;
	p0 =	seq.s32 s7, s2  }
0x1e: {  	s7 =	smul.u32 @!p0 $0xF7A, s2;
	p2 =	seq.s32 @!p0 s5, $0x0  }
0x1f: {  	s9 =	smul.u32 $0xF7A, s1;
	s8 =	simm.s32 @!p0 $0x1BF5;
	p2 =	por !p2, p0  }
0x20: {  	[sflag:s8] =	ssyncset.s32 @!p0 $0xFFFFF086;
	s6 =	sadd.s32 @!p0 s3, s7;
	s7 =	simm.s32 @!p0 $0x108  }
0x21: {  	s3 =	sadd.s32 s3, s9;
	s6 =	sadd.s32 @!p0 $0x88, s6;
	s7 =	simm.s32 @p2 $0x1082  }
0x22: {  	[simem:s7], [sflag:s8] =	dma.local @!p0 [hbm:s6], $0xF7A  }
0x23: {  	s9 =	sor.u32 $0xD0000000, s2;
	s6 =	simm.s32 $0x108;
	_ =	swait.ge @!p0 [sflag:s8], $0x0  }
0x24: {  	s3 =	sadd.s32 $0x88, s3;
	s6 =	simm.s32 @!p1 $0x1082;
	[sflag:s4] =	ssyncset.s32 $0xFFFFF086  }
0x25: {  	[simem:s6], [sflag:s4] =	dma.local [hbm:s3], $0xF7A  }
0x26: {  	[smem:$0x3F9F] =	sst s1;
	(tag) =	ssettag s2;
	_ =	strace s9  }
0x27: {  	s1 =	sld [smem:$0x3FAF]  }
0x28: {  	s2 =	sld [smem:$0x3FB0]  }
0x29: {  	s4 =	sld [smem:$0x3FB2]  }
0x2a: {  	p0 =	seq.s32 s5, $0x0;
	s5 =	sld [smem:$0x3FB3]  }
0x2b: {  	s6 =	sld [smem:$0x3FB4]  }
0x2c: {  	s7 =	sld [smem:$0x3FB5]  }
0x2d: {  	s3 =	simm.s32 $0x108;
	s8 =	sld [smem:$0x3FB6]  }
0x2e: {  	s3 =	simm.s32 @!p0 $0x1082;
	s9 =	sld [smem:$0x3FB7]  }
0x2f: {  	lr =	sadd.s32 s0, s3;
	s0 =	sld [smem:$0x3FAE]  }
0x30: {  	s3 =	sld [smem:$0x3FB1]  }
0x31: {  	[smem:$0x3FBA] =	sst s10  }
0x32: {  	s10 =	sld [smem:$0x3FB8];
	_ =	sdelay $0x3  }
0x33: {  	p0 =	seq.s32 s10, $0x1;
	s10 =	sld [smem:$0x3FBA];
	_ =	sdelay $0x3  }
0x34: {  	[smem:$0x3FBA] =	sst s10  }
0x35: {  	s10 =	sld [smem:$0x3FB9];
	_ =	sdelay $0x3  }
0x36: {  	p1 =	seq.s32 s10, $0x1;
	s10 =	sld [smem:$0x3FBA];
	_ =	sdelay $0x3  }
0x37: {  	[smem:$0x3FBA] =	sst s10  }
0x38: {  	s10 =	sld [smem:$0x3FBB]  }
0x39: {  	_ = 	snop;
	(pc) =	sbr.ind lr, $3  }
0x3a: {  	_ = 	snop  }
0x3b: {  	_ = 	snop  }
0x3c: {  	p2 =	seq.s32 s10, $0x1;
	s10 =	sld [smem:$0x3FBA]  }
0x3d: {  	_ =	shalt  }
0x3e: {  	_ =	shalt  }
0x3f: {  	_ =	shalt  }
0x40: {  	_ =	shalt  }
0x41: {  	_ =	shalt  }
0x42: {  	_ =	shalt  }
0x43: {  	_ =	shalt  }
0x44: {  	_ =	shalt  }
0x45: {  	_ =	shalt  }
0x46: {  	_ =	shalt  }
0x47: {  	_ =	shalt  }
0x48: {  	_ =	shalt  }
0x49: {  	_ =	shalt  }
0x4a: {  	_ =	shalt  }
0x4b: {  	_ =	shalt  }
0x4c: {  	_ =	shalt  }
0x4d: {  	_ =	shalt  }
0x4e: {  	_ =	shalt  }
0x4f: {  	_ =	shalt  }
0x50: {  	_ =	shalt  }
0x51: {  	_ =	shalt  }
0x52: {  	_ =	shalt  }
0x53: {  	_ =	shalt  }
0x54: {  	_ =	shalt  }
0x55: {  	_ =	shalt  }
0x56: {  	_ =	shalt  }
0x57: {  	_ =	shalt  }
0x58: {  	_ =	shalt  }
0x59: {  	_ =	shalt  }
0x5a: {  	_ =	shalt  }
0x5b: {  	_ =	shalt  }
0x5c: {  	_ =	shalt  }
0x5d: {  	_ =	shalt  }
0x5e: {  	_ =	shalt  }
0x5f: {  	_ =	shalt  }
0x60: {  	_ =	shalt  }
0x61: {  	_ =	shalt  }
0x62: {  	_ =	shalt  }
0x63: {  	_ =	shalt  }
0x64: {  	_ =	shalt  }
0x65: {  	_ =	shalt  }
0x66: {  	_ =	shalt  }
0x67: {  	_ =	shalt  }
0x68: {  	_ =	shalt  }
0x69: {  	_ =	shalt  }
0x6a: {  	_ =	shalt  }
0x6b: {  	_ =	shalt  }
0x6c: {  	_ =	shalt  }
0x6d: {  	_ =	shalt  }
0x6e: {  	_ =	shalt  }
0x6f: {  	_ =	shalt  }
0x70: {  	_ =	shalt  }
0x71: {  	_ =	shalt  }
0x72: {  	_ =	shalt  }
0x73: {  	_ =	shalt  }
0x74: {  	_ =	shalt  }
0x75: {  	_ =	shalt  }
0x76: {  	_ =	shalt  }
0x77: {  	_ =	shalt  }
0x78: {  	_ =	shalt  }
0x79: {  	_ =	shalt  }
0x7a: {  	_ =	shalt  }
0x7b: {  	_ =	shalt  }
0x7c: {  	_ =	shalt  }
0x7d: {  	_ =	shalt  }
0x7e: {  	_ =	shalt  }
0x7f: {  	_ =	shalt  }
0x80: {  	_ =	shalt  }
0x81: {  	_ =	shalt  }
0x82: {  	_ =	shalt  }
0x83: {  	_ =	shalt  }
0x84: {  	_ =	shalt  }
0x85: {  	_ =	shalt  }
0x86: {  	_ =	shalt  }
0x87: {  	_ =	shalt  }
.Lfunc_end0:
.L_simem_size_0:
called_computation_lowered:
.L_overlay_start_0:
0x88: {  	s2 =	sld [smem:$0x3FD9]  }
0x89: {  	s3 =	sld [smem:$0x3FFE];
	_ =	sdelay $0x1  }
0x8a: {  	s1 =	srdreg.scid  }
0x8b: {  	s0 =	sand.u32 $0x1, s1  }
0x8c: {  	s18 =	sshll.u32 s0, $0xA;
	s2 =	sadd.s32 s3, s2  }
0x8d: {  	s2 =	sadd.s32 s2, s18  }
0x8e: {  	[smem:$0x3FC6] =	sst s2  }
0x8f: {  	_ = 	snop  }
0x90: {  	s2 =	sld [smem:$0x3FC9]  }
0x91: {  	s19 =	sld [smem:$0x3FC8]  }
0x92: {  	s4 =	sld [smem:$0x3FD0];
	(tm) =	ssettm $0x1  }
0x93: {  	s5 =	sld [smem:$0x3FFB];
	_ =	sdelay $0x3  }
0x94: {  	_ =	strace s5  }
0x95: {  	s5 =	sld [smem:$0x3FFC];
	_ =	sdelay $0x3  }
0x96: {  	_ =	strace s5  }
0x97: {  	s5 =	sld [smem:$0x3FFD];
	_ =	sdelay $0x3  }
0x98: {  	_ =	strace s5  }
0x99: {  	_ =	strace $0x8FFFFFFF  }
0x9a: {  	s20 =	sld [smem:$0x3FDB];
	_ =	sdelay $0x1  }
0x9b: {  	s6 =	simm.s32 $_scs_section_size  }
0x9c: {  	s7 =	simm.s32 $_size__tile_overlayer_lowered;
	s8 =	simm.s32 $_tile_overlayer_lowered  }
0x9d: {  	s23 =	simm.s32 $0x1BFF;
	s22 =	sshll.u32 s8, $0x1;
	s5 =	sadd.s32 s6, s20  }
0x9e: {  	s9 =	simm.s32 $0x0;
	s21 =	sshll.u32 s7, $0x1;
	s7 =	sadd.s32 s22, s5  }
0x9f: {  	[timem:s9], [sflag:s23] =	dma.local [hbm:s7], s21  }
0xa0: {  	_ =	swait.ge [sflag:s23], s21  }
0xa1: {  	s6 =	ssub.s32 $0x0, s21;
	[sflag:s23] =	ssyncset.done $0x0  }
0xa2: {  	[sflag:s23] =	ssyncadd.s32 s6;
	_ =	sdelay $0x1  }
0xa3: {  	s24 =	simm.s32 $0x1B8B  }
0xa4: {  	_ =	swait.ge [sflag:s24], $0x1  }
0xa5: {  	[sflag:s24] =	ssyncset.done $0x0  }
0xa6: {  	s25 =	simm.s32 $0x1B8E;
	[sflag:s24] =	ssyncadd.s32 $0xFFFFFFFF  }
0xa7: {  	s26 =	simm.s32 $execute0_lowered;
	[smem:$0x3FD2] =	sst s25  }
0xa8: {  	s6 =	sshll.u32 s26, $0x1;
	_ =	strace $0x80000046;
	[dreg:$0x1] =	wrdreg $0xFFFFFFFF  }
0xa9: {  	s28 =	simm.s32 $_size_execute0_lowered;
	s5 =	sadd.s32 s5, s6;
	[dreg:$0x0] =	wrdreg $0x0  }
0xaa: {  	s6 =	sshll.u32 s28, $0x1;
	[dreg:$0x2] =	wrdreg s5  }
0xab: {  	[dreg:$0x3] =	wrdreg s6  }
0xac: {  	[dreg:$0x4] =	wrdreg $0xC0  }
0xad: {  	_ =	task [dreg:s9], $0x5FFFF  }
0xae: {  	[dreg:$0x1] =	wrdreg $0xFFFFFFFF  }
0xaf: {  	[dreg:$0x0] =	wrdreg $0x60  }
0xb0: {  	[dreg:$0x2] =	wrdreg s2  }
0xb1: {  	[dreg:$0x3] =	wrdreg s19  }
0xb2: {  	[dreg:$0x4] =	wrdreg s4  }
0xb3: {  	[dreg:$0x5] =	wrdreg $0x9  }
0xb4: {  	_ =	task.clear_ibuf [dreg:s9], $0x6FFFF;
	_ =	strace $0x90000046  }
0xb5: {  	s29 =	simm.s32 $0x9;
	_ =	strace $0x80000048  }
0xb6: {  	_ =	swait.ge [sflag:s29], $0x1  }
0xb7: {  	[sflag:s29] =	ssyncadd.s32 $0xFFFFFFFF  }
0xb8: {  	_ =	strace $0x90000048  }
0xb9: {  	_ =	sfence  }
0xba: {  	s30 =	sld [smem:$0x0];
	_ =	sdelay $0x2  }
0xbb: {  	s31 =	sshll.u32 s1, $0xD;
	s1 =	sshrl.u32 s1, $0x2  }
0xbc: {  	s3 =	sand.u32 $0x4000, s31;
	s1 =	sadd.s32 s1, s30  }
0xbd: {  	s0 =	sor.u32 s3, s0;
	s1 =	sshll.u32 s1, $0x11  }
0xbe: {  	s0 =	sor.u32 s1, s0  }
0xbf: {  	s0 =	sadd.s32 $0x8F2B, s0  }
0xc0: {  	[sflag:s0] =	ssyncadd.remote.s32 $0x1  }
0xc1: {  	_ =	sfence.sel $0xFFFF  }
0xc2: {  	[dreg:$0x0] =	wrdreg $0xFFFFFFFF;
	(pc) =	sbr.abs _section_cstart, $3  }
0xc3: {  	[dreg:$0x1] =	wrdreg $0xFFFFFFFF  }
0xc4: {  	_ =	task.clear_ibuf [dreg:s9], $0x2FFFF;
	_ =	strace $0x9FFFFFFF  }
0xc5: {  	(tm) =	ssettm $0x7FFFFFFF  }
tec
execute0_lowered:
.L_overlay_start_1:
0x0: {  	(tag) =	ssettag $0x1  }
0x1: {  	s3 =	rddreg [dreg:$0x0];
	s0 =	srdreg.scid  }
0x2: {  	s4 =	rddreg [dreg:$0x2];
	s1 =	stileid.u32  }
0x3: {  	s5 =	simm.s32 $0x0;
	s14 =	simm.s32 $0x1000;
	s15 =	simm.s32 $0x9000  }
0x4: {  	s17 =	simm.s32 $0x1;
	s20 =	simm.s32 $0x2;
	s0 =	sand.u32 $0x1, s0  }
0x5: {  	s21 =	simm.s32 $0x3;
	s1 =	sshll.u32 s1, $0x8;
	s2 =	sshll.u32 s0, $0x7  }
0x6: {  	s22 =	simm.s32 $0x4;
	[smem:$0x7FF] =	sst s5;
	s2 =	sor.u32 s2, s1  }
0x7: {  	s0 =	ssub.s32 $0x2, s0;
	_ =	strace $0x80000047;
	s6 =	sshll.u32 s2, $0x9  }
0x8: {  	s28 =	sshrl.u32 s0, $0x1;
	s30 =	sor.u32 $0x10, s2;
	[dreg:$0x4] =	wrdreg s6  }
.Ltmp0:
0x9: {  	s31 =	sor.u32 $0x18, s2;
	[dreg:$0x7] =	wrdreg s30;
	(pc) =	sbr.rel .LBB2_1-.Ltmp0, $4  }
0xa: {  	s0 =	ssub.s32 s0, s28;
	s29 =	sadd.s32 s3, s6;
	[dreg:$0x8] =	wrdreg s31  }
0xb: {  	s18 =	smov.u32 s4;
	s0 =	smax.u32 s0, $0x1;
	[dreg:$0x5] =	wrdreg s29  }
0xc: {  	s10 =	sadd.s32 $0x800, s4;
	s1 =	sadd.s32 $0x1000, s29;
	[dreg:$0x9] =	wrdreg s0  }
0xd: {  	s19 =	smov.u32 s2;
	[dreg:$0x6] =	wrdreg s1;
	s1 =	simm.s32 $0x0  }
.LBB2_12:
0xe: {  	_ =	swait.ge [sflag:s21], $0x4000  }
0xf: {  	[sflag:s21] =	ssyncset.done $0x0  }
0x10: {  	[sflag:s21] =	ssyncadd.s32 $0xFFFFC000  }
0x11: {  	_ =	swait.ge [sflag:s22], $0x4000  }
0x12: {  	s1 =	rddreg [dreg:$0xa]  }
0x13: {  	s0 =	rddreg [dreg:$0x9];
	s1 =	sadd.s32 $0x1, s1  }
0x14: {  	p0 =	sne.s32 s1, s0  }
.Ltmp1:
0x15: {  	_ = 	snop;
	(pc) =	sbr.rel @!p0 .LBB2_13-.Ltmp1, $3  }
0x16: {  	_ =	sdelay $0x1  }
0x17: {  	[sflag:s22] =	ssyncset.done $0x0  }
0x18: {  	[sflag:s22] =	ssyncadd.s32 $0xFFFFC000  }
.LBB2_1:
0x19: {  	[dreg:$0xa] =	wrdreg s1  }
0x1a: {  	s0 =	rddreg [dreg:$0x5]  }
0x1b: {  	[tilespmem:s14], [sflag:$0x1] =	stream.linear.gather [hbm4b:s0+s5], $0x8000, $0x38;
	[tilespmem:$0x19000] =	vst v63  }
0x1c: {  	s29 =	rddreg [dreg:$0x6]  }
0x1d: {  	[tilespmem:s15], [sflag:$0x2] =	stream.linear.gather [hbm4b:s29+s5], $0x8000, $0x38;
	[tilespmem:$0x19000] =	vst v63  }
0x1e: {  	s30 =	rddreg [dreg:$0x1];
	s31 =	simm.s32 $0x5  }
0x1f: {  	[tilespmem:s5], [sflag:$0x5] =	stream.linear.gather [hbm4b:s30+s5], $0x1000, $0x38;
	[tilespmem:$0x19000] =	vst v63  }
0x20: {  	_ =	swait.ge [sflag:s31], $0x1000  }
0x21: {  	[sflag:s31] =	ssyncset.done $0x0  }
0x22: {  	s24 =	simm.s32 $0x0;
	[sflag:s31] =	ssyncadd.s32 $0xFFFFF000  }
.LBB2_2:
0x23: {  	_ =	swait.ge [sflag:s17], $0x8000  }
0x24: {  	p0 =	seq.s32 s24, $0x0;
	[sflag:s17] =	ssyncset.done $0x0  }
0x25: {  	s0 =	simm.s32 @!p0 $0x3;
	[sflag:s17] =	ssyncadd.s32 $0xFFFF8000  }
0x26: {  	_ =	swait.ge @!p0 [sflag:s0], $0x4000  }
0x27: {  	[sflag:s0] =	ssyncset.done @!p0 $0x0  }
0x28: {  	s1 =	simm.s32 $0x0;
	[sflag:s0] =	ssyncadd.s32 @!p0 $0xFFFFC000  }
0x29: {  	v0 =	vld [tilespmem:s1+$0x0];
	_ =	sdelay $0x4  }
0x2a: {  	v1 =	vshll.u32 v0, $0x3  }
0x2b: {  	v0 =	vand.u32 $0x7F, v0;
	v1 =	vand.u32 $0xFFFFFC00, v1  }
0x2c: {  	s9 =	simm.s32 $0x10;
	v4 =	vor.u32 v0, v1  }
0x2d: {  	v0 =	vld [tilespmem:s9+$0x0];
	_ =	sdelay $0x3  }
0x2e: {  	v1 =	vld.idx.msk [tilespmem:v4+s14+$0x0], $0xffff  }
0x2f: {  	v3 =	vor.u32 $0x80, v4;
	v2 =	vshll.u32 v0, $0x3  }
0x30: {  	s11 =	simm.s32 $0x0;
	v0 =	vand.u32 $0x7F, v0;
	v2 =	vand.u32 $0xFFFFFC00, v2  }
0x31: {  	s2 =	simm.s32 $0x20;
	s3 =	sand.u32 $0x3C00, s1;
	s0 =	sand.u32 $0x70, s11;
	v7 =	vor.u32 v0, v2  }
0x32: {  	s0 =	sor.u32 s0, s3;
	v0 =	vld [tilespmem:s2+$0x0]  }
0x33: {  	[tilespmem:s0+$0x11000] =	vst v1  }
0x34: {  	v1 =	vld.idx.msk [tilespmem:v3+s14+$0x0], $0xffff  }
0x35: {  	v2 =	vor.u32 $0x100, v4  }
0x36: {  	v3 =	vld.idx.msk [tilespmem:v7+s14+$0x0], $0xffff  }
0x37: {  	s12 =	simm.s32 $0x10;
	v6 =	vor.u32 $0x80, v7;
	v5 =	vshll.u32 v0, $0x3  }
0x38: {  	s13 =	simm.s32 $0x30;
	s4 =	simm.s32 $0x80;
	s0 =	sadd.s32 $0x11000, s0;
	v0 =	vand.u32 $0x7F, v0;
	v5 =	vand.u32 $0xFFFFFC00, v5  }
0x39: {  	s16 =	sand.u32 $0x3C00, s4;
	v8 =	vld [tilespmem:s13+$0x0];
	s2 =	sand.u32 $0x70, s12;
	v0 =	vor.u32 v0, v5;
	[tilespmem:s0+$0x80] =	vst v1  }
0x3a: {  	s2 =	sor.u32 s2, s16;
	v1 =	vld.idx.msk [tilespmem:v2+s14+$0x0], $0xffff  }
0x3b: {  	[tilespmem:s2+$0x11000] =	vst v3;
	v2 =	vor.u32 $0x180, v4  }
0x3c: {  	v3 =	vld.idx.msk [tilespmem:v6+s14+$0x0], $0xffff  }
0x3d: {  	v5 =	vor.u32 $0x100, v7  }
0x3e: {  	v9 =	vshll.u32 v8, $0x3;
	v6 =	vld.idx.msk [tilespmem:v0+s14+$0x0], $0xffff  }
0x3f: {  	s23 =	simm.s32 $0x20;
	v10 =	vor.u32 $0x80, v0;
	[tilespmem:s0+$0x100] =	vst v1;
	v1 =	vand.u32 $0x7F, v8;
	v8 =	vand.u32 $0xFFFFFC00, v9  }
0x40: {  	s25 =	simm.s32 $0x40;
	s26 =	simm.s32 $0x100;
	s28 =	sadd.s32 $0x11000, s2;
	v2 =	vld.idx.msk [tilespmem:v2+s14+$0x0], $0xffff;
	v1 =	vor.u32 v1, v8  }
0x41: {  	s3 =	sand.u32 $0x70, s23;
	s2 =	sand.u32 $0x3C00, s26;
	v8 =	vld [tilespmem:s25+$0x0];
	[tilespmem:s28+$0x80] =	vst v3;
	v3 =	vor.u32 $0x200, v4  }
0x42: {  	s2 =	sor.u32 s3, s2;
	v5 =	vld.idx.msk [tilespmem:v5+s14+$0x0], $0xffff  }
0x43: {  	[tilespmem:s2+$0x11000] =	vst v6;
	v6 =	vor.u32 $0x180, v7  }
0x44: {  	v9 =	vld.idx.msk [tilespmem:v10+s14+$0x0], $0xffff  }
0x45: {  	v11 =	vor.u32 $0x100, v0;
	v10 =	vld.idx.msk [tilespmem:v1+s14+$0x0], $0xffff;
	[tilespmem:s0+$0x180] =	vst v2  }
0x46: {  	v12 =	vor.u32 $0x80, v1;
	v2 =	vshll.u32 v8, $0x3;
	v3 =	vld.idx.msk [tilespmem:v3+s14+$0x0], $0xffff  }
0x47: {  	s6 =	simm.s32 $0x180;
	s7 =	simm.s32 $0x50;
	s4 =	simm.s32 $0x30;
	[tilespmem:s28+$0x100] =	vst v5;
	v5 =	vand.u32 $0x7F, v8;
	v2 =	vand.u32 $0xFFFFFC00, v2;
	v8 =	vor.u32 $0x280, v4  }
0x48: {  	s8 =	sand.u32 $0x3C00, s6;
	s3 =	sand.u32 $0x70, s4;
	s26 =	sadd.s32 $0x11000, s2;
	v6 =	vld.idx.msk [tilespmem:v6+s14+$0x0], $0xffff;
	v2 =	vor.u32 v5, v2  }
0x49: {  	s2 =	sor.u32 s3, s8;
	v5 =	vld [tilespmem:s7+$0x0];
	[tilespmem:s26+$0x80] =	vst v9;
	v9 =	vor.u32 $0x200, v7  }
0x4a: {  	v11 =	vld.idx.msk [tilespmem:v11+s14+$0x0], $0xffff;
	[tilespmem:s2+$0x11000] =	vst v10  }
0x4b: {  	v10 =	vld.idx.msk [tilespmem:v12+s14+$0x0], $0xffff;
	v12 =	vor.u32 $0x180, v0;
	[tilespmem:s0+$0x200] =	vst v3  }
0x4c: {  	v13 =	vor.u32 $0x100, v1;
	v8 =	vld.idx.msk [tilespmem:v8+s14+$0x0], $0xffff  }
0x4d: {  	v14 =	vor.u32 $0x300, v4;
	v15 =	vld.idx.msk [tilespmem:v2+s14+$0x0], $0xffff;
	[tilespmem:s28+$0x180] =	vst v6  }
0x4e: {  	s9 =	simm.s32 $0x60;
	v3 =	vshll.u32 v5, $0x3;
	v6 =	vld.idx.msk [tilespmem:v9+s14+$0x0], $0xffff;
	v9 =	vor.u32 $0x80, v2  }
0x4f: {  	s11 =	simm.s32 $0x40;
	v17 =	vld [tilespmem:s9+$0x0];
	s12 =	simm.s32 $0x200;
	s29 =	sadd.s32 $0x11000, s2;
	v5 =	vand.u32 $0x7F, v5;
	[tilespmem:s26+$0x100] =	vst v11;
	v3 =	vand.u32 $0xFFFFFC00, v3;
	v11 =	vor.u32 $0x280, v7  }
0x50: {  	s13 =	sand.u32 $0x70, s11;
	s2 =	sand.u32 $0x3C00, s12;
	v3 =	vor.u32 v5, v3;
	v12 =	vld.idx.msk [tilespmem:v12+s14+$0x0], $0xffff;
	[tilespmem:s29+$0x80] =	vst v10  }
0x51: {  	s2 =	sor.u32 s13, s2;
	v5 =	vld.idx.msk [tilespmem:v13+s14+$0x0], $0xffff;
	[tilespmem:s0+$0x280] =	vst v8  }
0x52: {  	v10 =	vor.u32 $0x200, v0;
	[tilespmem:s2+$0x11000] =	vst v15;
	v8 =	vld.idx.msk [tilespmem:v14+s14+$0x0], $0xffff  }
0x53: {  	s6 =	simm.s32 $0x50;
	s1 =	sand.u32 $0x7, s1;
	s23 =	simm.s32 $0x2;
	v13 =	vor.u32 $0x180, v1;
	v9 =	vld.idx.msk [tilespmem:v9+s14+$0x0], $0xffff;
	[tilespmem:s28+$0x200] =	vst v6  }
0x54: {  	s1 =	sshll.u32 s1, $0x4;
	s9 =	simm.s32 $0x3;
	s4 =	sand.u32 $0x7, s23;
	v6 =	vld.idx.msk [tilespmem:v11+s14+$0x0], $0xffff;
	v11 =	vor.u32 $0x380, v4  }
0x55: {  	s16 =	simm.s32 $0x1;
	s4 =	sshll.u32 s4, $0x4;
	s8 =	simm.s32 $0x70;
	v14 =	vor.u32 $0x100, v2;
	v15 =	vld.idx.msk [tilespmem:v3+s14+$0x0], $0xffff  }
0x56: {  	s30 =	sadd.s32 $0x100, s4;
	s4 =	sand.u32 $0x7, s9;
	s3 =	sand.u32 $0x7, s16;
	v16 =	vld [tilespmem:s8+$0x0];
	v18 =	vor.u32 $0x80, v3;
	[tilespmem:s26+$0x180] =	vst v12  }
0x57: {  	s16 =	simm.s32 $0x280;
	s7 =	sadd.s32 $0x0, s1;
	s1 =	sand.u32 $0x70, s6;
	v4 =	vshll.u32 v17, $0x3;
	v12 =	vor.u32 $0x300, v7;
	v10 =	vld.idx.msk [tilespmem:v10+s14+$0x0], $0xffff;
	[tilespmem:s29+$0x100] =	vst v5  }
0x58: {  	s11 =	sshll.u32 s4, $0x4;
	s12 =	sand.u32 $0x3C00, s16;
	s31 =	sadd.s32 $0x11000, s2;
	v4 =	vand.u32 $0xFFFFFC00, v4;
	v5 =	vand.u32 $0x7F, v17;
	v21 =	vld.idx.msk [tilespmem:v13+s14+$0x0], $0xffff;
	v13 =	vor.u32 $0x280, v0;
	[tilespmem:s0+$0x300] =	vst v8  }
0x59: {  	s25 =	sshll.u32 s24, $0x4;
	s3 =	sshll.u32 s3, $0x4;
	s23 =	sor.u32 s1, s12;
	v4 =	vor.u32 v5, v4;
	[tilespmem:s31+$0x80] =	vst v9;
	v11 =	vld.idx.msk [tilespmem:v11+s14+$0x0], $0xffff  }
0x5a: {  	s3 =	sadd.s32 $0x80, s3;
	s6 =	simm.s32 $0x60;
	s13 =	simm.s32 $0x4;
	v14 =	vld.idx.msk [tilespmem:v14+s14+$0x0], $0xffff;
	[tilespmem:s23+$0x11000] =	vst v15;
	v15 =	vor.u32 $0x200, v1  }
0x5b: {  	s7 =	sor.u32 $0x380, s7;
	s1 =	simm.s32 $0x5;
	s4 =	sand.u32 $0x7, s13;
	[tilespmem:s28+$0x280] =	vst v6;
	v17 =	vld.idx.msk [tilespmem:v18+s14+$0x0], $0xffff  }
0x5c: {  	s9 =	sshll.u32 s4, $0x4;
	v19 =	vor.u32 $0x100, v3;
	s0 =	sadd.s32 $0x180, s11;
	s11 =	sand.u32 $0x7, s1;
	v18 =	vor.u32 $0x180, v2;
	v12 =	vld.idx.msk [tilespmem:v12+s14+$0x0], $0xffff;
	[tilespmem:s26+$0x200] =	vst v10  }
0x5d: {  	s13 =	sadd.s32 $0x200, s9;
	s2 =	simm.s32 $0x70;
	v7 =	vor.u32 $0x380, v7;
	v8 =	vor.u32 $0x300, v0;
	v5 =	vor.u32 $0x300, v2;
	s9 =	sshll.u32 s11, $0x4;
	v13 =	vld.idx.msk [tilespmem:v13+s14+$0x0], $0xffff  }
0x5e: {  	s12 =	sand.u32 $0x70, s6;
	s4 =	sand.u32 $0x70, s2;
	v9 =	vor.u32 $0x300, v3;
	v6 =	vor.u32 $0x300, v1;
	s9 =	sadd.s32 $0x280, s9;
	v10 =	vor.u32 $0x300, v4;
	v20 =	vld.idx.msk [tilespmem:v4+s14+$0x0], $0xffff;
	[tilespmem:s29+$0x180] =	vst v21  }
.LBB2_3:
0x5f: {  	s2 =	sadd.s32 $0x10, s2;
	s8 =	sadd.s32 $0x10, s8;
	s1 =	sadd.s32 $0x1, s1;
	v21 =	vld.idx.msk [tilespmem:v15+s14+$0x0], $0xffff;
	[tilespmem:s7+$0x11000] =	vst v11  }
0x60: {  	v11 =	vshll.u32 v16, $0x3;
	v23 =	vor.u32 $0x80, v4;
	s7 =	sand.u32 $0x70, s2;
	v22 =	vld [tilespmem:s8+$0x0];
	p1 =	slt.u32 s2, $0x7F0;
	s6 =	sand.u32 $0x7, s1;
	[tilespmem:s31+$0x100] =	vst v14  }
0x61: {  	s11 =	sadd.s32 $0x11000, s23;
	s16 =	sadd.s32 $0x80, s16;
	v25 =	vor.u32 $0x280, v1;
	v14 =	vand.u32 $0x7F, v16;
	v11 =	vand.u32 $0xFFFFFC00, v11;
	s6 =	sshll.u32 s6, $0x4;
	v24 =	vld.idx.msk [tilespmem:v18+s14+$0x0], $0xffff;
	[tilespmem:s28+$0x300] =	vst v12  }
0x62: {  	s23 =	sand.u32 $0x3C00, s16;
	v26 =	vor.u32 v14, v11;
	s28 =	smov.u32 s26;
	s6 =	sadd.s32 s6, s16;
	[tilespmem:s11+$0x80] =	vst v17;
	v11 =	vld.idx.msk [tilespmem:v7+s14+$0x0], $0xffff  }
.Ltmp2:
0x63: {  	v15 =	vor.u32 $0x200, v2;
	s23 =	sor.u32 s12, s23;
	s12 =	smov.u32 s4;
	v7 =	vor.u32 $0x300, v26;
	v14 =	vld.idx.msk [tilespmem:v19+s14+$0x0], $0xffff;
	[tilespmem:s28+$0x280] =	vst v13;
	(pc) =	sbr.rel @p1 .LBB2_3-.Ltmp2, $4  }
0x64: {  	s4 =	smov.u32 s7;
	s26 =	smov.u32 s29;
	s29 =	smov.u32 s31;
	[tilespmem:s23+$0x11000] =	vst v20;
	v12 =	vld.idx.msk [tilespmem:v8+s14+$0x0], $0xffff;
	v8 =	vmovc v6;
	v6 =	vmovc v5;
	v5 =	vmov v9;
	v9 =	vmov v10;
	v10 =	vmov v7  }
0x65: {  	v18 =	vor.u32 $0x180, v3;
	s31 =	smov.u32 s11;
	s11 =	smov.u32 s0;
	s0 =	smov.u32 s13;
	v17 =	vld.idx.msk [tilespmem:v23+s14+$0x0], $0xffff;
	[tilespmem:s26+$0x200] =	vst v21;
	v16 =	vmov v22  }
0x66: {  	s13 =	smov.u32 s9;
	s9 =	smov.u32 s6;
	v7 =	vor.u32 $0x380, v0;
	v0 =	vmovc v1;
	v1 =	vmovc v2;
	v2 =	vmov v3;
	v3 =	vmov v4;
	v13 =	vld.idx.msk [tilespmem:v25+s14+$0x0], $0xffff  }
0x67: {  	s7 =	sor.u32 $0x380, s3;
	s3 =	smov.u32 s30;
	s30 =	smov.u32 s11;
	v4 =	vmov v26;
	v19 =	vor.u32 $0x100, v3;
	v20 =	vld.idx.msk [tilespmem:v26+s14+$0x0], $0xffff;
	[tilespmem:s29+$0x180] =	vst v24  }
0x68: {  	v21 =	vshll.u32 v16, $0x3  }
0x69: {  	v16 =	vand.u32 $0x7F, v16;
	v21 =	vand.u32 $0xFFFFFC00, v21  }
0x6a: {  	v16 =	vor.u32 v16, v21;
	_ =	sdelay $0x2  }
0x6b: {  	v21 =	vor.u32 $0x80, v4  }
0x6c: {  	s16 =	sadd.s32 $0x80, s16  }
0x6d: {  	s2 =	sand.u32 $0x3C00, s16;
	v22 =	vld.idx.msk [tilespmem:v16+s14+$0x0], $0xffff  }
0x6e: {  	s2 =	sor.u32 s12, s2;
	v23 =	vor.u32 $0x80, v16  }
0x6f: {  	s8 =	sadd.s32 $0x80, s16;
	[tilespmem:s2+$0x11000] =	vst v20  }
0x70: {  	s6 =	sand.u32 $0x3C00, s8;
	v20 =	vld.idx.msk [tilespmem:v21+s14+$0x0], $0xffff  }
0x71: {  	s6 =	sor.u32 s4, s6;
	v21 =	vor.u32 $0x100, v4  }
0x72: {  	[tilespmem:s6+$0x11000] =	vst v22  }
0x73: {  	s4 =	sadd.s32 $0x11000, s23;
	v22 =	vld.idx.msk [tilespmem:v23+s14+$0x0], $0xffff  }
0x74: {  	s11 =	sadd.s32 $0x11000, s2;
	[tilespmem:s4+$0x80] =	vst v17;
	v23 =	vor.u32 $0x100, v16  }
0x75: {  	v17 =	vld.idx.msk [tilespmem:v19+s14+$0x0], $0xffff;
	[tilespmem:s11+$0x80] =	vst v20  }
0x76: {  	v19 =	vor.u32 $0x180, v3;
	v20 =	vld.idx.msk [tilespmem:v21+s14+$0x0], $0xffff  }
0x77: {  	s23 =	sadd.s32 $0x11000, s6;
	v21 =	vor.u32 $0x180, v4  }
0x78: {  	[tilespmem:s23+$0x80] =	vst v22  }
0x79: {  	[tilespmem:s31+$0x100] =	vst v14;
	v22 =	vld.idx.msk [tilespmem:v23+s14+$0x0], $0xffff  }
0x7a: {  	v14 =	vld.idx.msk [tilespmem:v18+s14+$0x0], $0xffff;
	[tilespmem:s4+$0x100] =	vst v17;
	v23 =	vor.u32 $0x180, v16  }
0x7b: {  	v17 =	vor.u32 $0x200, v2;
	v18 =	vld.idx.msk [tilespmem:v19+s14+$0x0], $0xffff;
	[tilespmem:s11+$0x100] =	vst v20  }
0x7c: {  	[tilespmem:s7+$0x11000] =	vst v11;
	v19 =	vor.u32 $0x200, v3;
	v20 =	vld.idx.msk [tilespmem:v21+s14+$0x0], $0xffff  }
0x7d: {  	v11 =	vor.u32 $0x200, v4;
	[tilespmem:s28+$0x300] =	vst v12  }
0x7e: {  	v15 =	vld.idx.msk [tilespmem:v15+s14+$0x0], $0xffff;
	[tilespmem:s23+$0x100] =	vst v22  }
0x7f: {  	[tilespmem:s31+$0x180] =	vst v14;
	v14 =	vor.u32 $0x280, v1;
	v21 =	vld.idx.msk [tilespmem:v23+s14+$0x0], $0xffff  }
0x80: {  	v12 =	vor.u32 $0x200, v16;
	v17 =	vld.idx.msk [tilespmem:v17+s14+$0x0], $0xffff;
	[tilespmem:s4+$0x180] =	vst v18  }
0x81: {  	v18 =	vor.u32 $0x280, v2;
	v19 =	vld.idx.msk [tilespmem:v19+s14+$0x0], $0xffff;
	[tilespmem:s11+$0x180] =	vst v20  }
0x82: {  	[tilespmem:s26+$0x280] =	vst v13;
	v20 =	vor.u32 $0x280, v3;
	v11 =	vld.idx.msk [tilespmem:v11+s14+$0x0], $0xffff  }
0x83: {  	v7 =	vld.idx.msk [tilespmem:v7+s14+$0x0], $0xffff;
	v13 =	vor.u32 $0x280, v4;
	[tilespmem:s29+$0x200] =	vst v15  }
0x84: {  	v14 =	vld.idx.msk [tilespmem:v14+s14+$0x0], $0xffff;
	[tilespmem:s23+$0x180] =	vst v21  }
0x85: {  	[tilespmem:s31+$0x200] =	vst v17;
	v12 =	vld.idx.msk [tilespmem:v12+s14+$0x0], $0xffff  }
0x86: {  	v15 =	vor.u32 $0x280, v16;
	v17 =	vld.idx.msk [tilespmem:v18+s14+$0x0], $0xffff;
	[tilespmem:s4+$0x200] =	vst v19  }
0x87: {  	s3 =	sor.u32 $0x380, s3;
	v18 =	vld.idx.msk [tilespmem:v20+s14+$0x0], $0xffff;
	[tilespmem:s11+$0x200] =	vst v11  }
0x88: {  	[tilespmem:s3+$0x11000] =	vst v7;
	v11 =	vld.idx.msk [tilespmem:v13+s14+$0x0], $0xffff  }
0x89: {  	v8 =	vld.idx.msk [tilespmem:v8+s14+$0x0], $0xffff;
	[tilespmem:s29+$0x280] =	vst v14  }
0x8a: {  	v0 =	vor.u32 $0x380, v0;
	v6 =	vld.idx.msk [tilespmem:v6+s14+$0x0], $0xffff;
	[tilespmem:s23+$0x200] =	vst v12  }
0x8b: {  	v1 =	vor.u32 $0x380, v1;
	[tilespmem:s31+$0x280] =	vst v17;
	v7 =	vld.idx.msk [tilespmem:v15+s14+$0x0], $0xffff  }
0x8c: {  	v5 =	vld.idx.msk [tilespmem:v5+s14+$0x0], $0xffff;
	[tilespmem:s4+$0x280] =	vst v18;
	v12 =	vor.u32 $0x300, v16  }
0x8d: {  	v2 =	vor.u32 $0x380, v2;
	v9 =	vld.idx.msk [tilespmem:v9+s14+$0x0], $0xffff;
	[tilespmem:s11+$0x280] =	vst v11  }
0x8e: {  	[tilespmem:s26+$0x300] =	vst v8;
	v3 =	vor.u32 $0x380, v3;
	v10 =	vld.idx.msk [tilespmem:v10+s14+$0x0], $0xffff  }
0x8f: {  	v0 =	vld.idx.msk [tilespmem:v0+s14+$0x0], $0xffff;
	v4 =	vor.u32 $0x380, v4;
	[tilespmem:s29+$0x300] =	vst v6  }
0x90: {  	v1 =	vld.idx.msk [tilespmem:v1+s14+$0x0], $0xffff;
	[tilespmem:s23+$0x280] =	vst v7  }
0x91: {  	[tilespmem:s31+$0x300] =	vst v5;
	v7 =	vld.idx.msk [tilespmem:v12+s14+$0x0], $0xffff  }
0x92: {  	v6 =	vor.u32 $0x380, v16;
	v2 =	vld.idx.msk [tilespmem:v2+s14+$0x0], $0xffff;
	[tilespmem:s4+$0x300] =	vst v9  }
0x93: {  	s6 =	sor.u32 $0x380, s30;
	v3 =	vld.idx.msk [tilespmem:v3+s14+$0x0], $0xffff;
	[tilespmem:s11+$0x300] =	vst v10  }
0x94: {  	s1 =	sadd.s32 $0x1, s1;
	s0 =	sor.u32 $0x380, s0;
	[tilespmem:s6+$0x11000] =	vst v0;
	v4 =	vld.idx.msk [tilespmem:v4+s14+$0x0], $0xffff  }
0x95: {  	s7 =	sand.u32 $0x7, s1;
	[tilespmem:s0+$0x11000] =	vst v1  }
0x96: {  	s2 =	sshll.u32 s7, $0x4;
	s11 =	sor.u32 $0x380, s13;
	[tilespmem:s23+$0x300] =	vst v7  }
0x97: {  	s1 =	sadd.s32 $0x1, s1;
	s12 =	sor.u32 $0x380, s9;
	s2 =	sadd.s32 s2, s16;
	[tilespmem:s11+$0x11000] =	vst v2;
	v0 =	vld.idx.msk [tilespmem:v6+s14+$0x0], $0xffff  }
0x98: {  	s1 =	sand.u32 $0x7, s1;
	s13 =	sor.u32 $0x380, s2;
	[tilespmem:s12+$0x11000] =	vst v3  }
0x99: {  	s1 =	sshll.u32 s1, $0x4;
	[tilespmem:s13+$0x11000] =	vst v4  }
0x9a: {  	s1 =	sadd.s32 s1, s8;
	s16 =	sshll.u32 s24, $0xD;
	s26 =	rddreg [dreg:$0x4]  }
0x9b: {  	s23 =	sor.u32 $0x380, s1;
	s26 =	sadd.s32 s26, s16  }
0x9c: {  	s0 =	simm.s32 @!p0 $0x4;
	s4 =	simm.s32 $0x11000;
	s3 =	sadd.s32 s18, s26;
	[tilespmem:s23+$0x11000] =	vst v0  }
0x9d: {  	[hbm4b:s3+s5] =	stream.linear.scatter [tilespmem:s4], [sflag:$0x3], $0x4000, $0x38;
	[tilespmem:$0x19000] =	vst v63  }
0x9e: {  	_ =	swait.ge @!p0 [sflag:s0], $0x4000  }
0x9f: {  	[sflag:s0] =	ssyncset.done @!p0 $0x0  }
0xa0: {  	s6 =	simm.s32 $0x800;
	[sflag:s0] =	ssyncadd.s32 @!p0 $0xFFFFC000  }
0xa1: {  	v0 =	vld [tilespmem:s6+$0x0];
	_ =	sdelay $0x4  }
0xa2: {  	v1 =	vshll.u32 v0, $0x3  }
0xa3: {  	v0 =	vand.u32 $0x7F, v0;
	v1 =	vand.u32 $0xFFFFFC00, v1  }
0xa4: {  	s7 =	simm.s32 $0x810;
	v4 =	vor.u32 v0, v1  }
0xa5: {  	v0 =	vld [tilespmem:s7+$0x0];
	_ =	sdelay $0x3  }
0xa6: {  	v1 =	vld.idx.msk [tilespmem:v4+s14+$0x0], $0xffff  }
0xa7: {  	v3 =	vor.u32 $0x80, v4;
	v2 =	vshll.u32 v0, $0x3  }
0xa8: {  	s9 =	simm.s32 $0x800;
	s8 =	simm.s32 $0x4000;
	v0 =	vand.u32 $0x7F, v0;
	v2 =	vand.u32 $0xFFFFFC00, v2  }
0xa9: {  	s11 =	simm.s32 $0x820;
	s1 =	sand.u32 $0x70, s9;
	s0 =	sand.u32 $0x7C00, s8;
	v10 =	vor.u32 v0, v2  }
0xaa: {  	s30 =	sor.u32 s1, s0;
	v0 =	vld [tilespmem:s11+$0x0]  }
0xab: {  	[tilespmem:s30+$0x11000] =	vst v1  }
0xac: {  	v1 =	vld.idx.msk [tilespmem:v3+s14+$0x0], $0xffff  }
0xad: {  	v2 =	vor.u32 $0x100, v4  }
0xae: {  	v3 =	vld.idx.msk [tilespmem:v10+s14+$0x0], $0xffff  }
0xaf: {  	v6 =	vor.u32 $0x80, v10;
	v5 =	vshll.u32 v0, $0x3  }
0xb0: {  	s12 =	simm.s32 $0x810;
	s13 =	simm.s32 $0x830;
	s16 =	simm.s32 $0x4080;
	v0 =	vand.u32 $0x7F, v0;
	v5 =	vand.u32 $0xFFFFFC00, v5  }
0xb1: {  	s23 =	sand.u32 $0x7C00, s16;
	s0 =	sand.u32 $0x70, s12;
	v7 =	vld [tilespmem:s13+$0x0];
	v0 =	vor.u32 v0, v5;
	[tilespmem:s30+$0x11080] =	vst v1  }
0xb2: {  	s29 =	sor.u32 s0, s23;
	v1 =	vld.idx.msk [tilespmem:v2+s14+$0x0], $0xffff  }
0xb3: {  	[tilespmem:s29+$0x11000] =	vst v3;
	v2 =	vor.u32 $0x180, v4  }
0xb4: {  	v3 =	vld.idx.msk [tilespmem:v6+s14+$0x0], $0xffff  }
0xb5: {  	v5 =	vor.u32 $0x100, v10  }
0xb6: {  	v8 =	vshll.u32 v7, $0x3;
	v6 =	vld.idx.msk [tilespmem:v0+s14+$0x0], $0xffff  }
0xb7: {  	v9 =	vor.u32 $0x80, v0;
	[tilespmem:s30+$0x11100] =	vst v1;
	v1 =	vand.u32 $0x7F, v7;
	v7 =	vand.u32 $0xFFFFFC00, v8  }
0xb8: {  	s2 =	simm.s32 $0x840;
	s3 =	simm.s32 $0x4100;
	s1 =	simm.s32 $0x820;
	v2 =	vld.idx.msk [tilespmem:v2+s14+$0x0], $0xffff;
	v1 =	vor.u32 v1, v7  }
0xb9: {  	s4 =	sand.u32 $0x7C00, s3;
	s0 =	sand.u32 $0x70, s1;
	v7 =	vld [tilespmem:s2+$0x0];
	[tilespmem:s29+$0x11080] =	vst v3;
	v3 =	vor.u32 $0x200, v4  }
0xba: {  	s28 =	sor.u32 s0, s4;
	v5 =	vld.idx.msk [tilespmem:v5+s14+$0x0], $0xffff  }
0xbb: {  	[tilespmem:s28+$0x11000] =	vst v6;
	v6 =	vor.u32 $0x180, v10  }
0xbc: {  	v8 =	vld.idx.msk [tilespmem:v9+s14+$0x0], $0xffff  }
0xbd: {  	v11 =	vor.u32 $0x100, v0;
	v9 =	vld.idx.msk [tilespmem:v1+s14+$0x0], $0xffff;
	[tilespmem:s30+$0x11180] =	vst v2  }
0xbe: {  	v12 =	vor.u32 $0x80, v1;
	v2 =	vshll.u32 v7, $0x3;
	v3 =	vld.idx.msk [tilespmem:v3+s14+$0x0], $0xffff  }
0xbf: {  	s6 =	simm.s32 $0x830;
	s7 =	simm.s32 $0x4180;
	[tilespmem:s29+$0x11100] =	vst v5;
	v5 =	vand.u32 $0x7F, v7;
	v2 =	vand.u32 $0xFFFFFC00, v2;
	v7 =	vor.u32 $0x280, v4  }
0xc0: {  	s8 =	simm.s32 $0x850;
	s0 =	sand.u32 $0x70, s6;
	s1 =	sand.u32 $0x7C00, s7;
	v6 =	vld.idx.msk [tilespmem:v6+s14+$0x0], $0xffff;
	v2 =	vor.u32 v5, v2  }
0xc1: {  	s31 =	sor.u32 s0, s1;
	v5 =	vld [tilespmem:s8+$0x0];
	[tilespmem:s28+$0x11080] =	vst v8;
	v8 =	vor.u32 $0x200, v10  }
0xc2: {  	v11 =	vld.idx.msk [tilespmem:v11+s14+$0x0], $0xffff;
	[tilespmem:s31+$0x11000] =	vst v9  }
0xc3: {  	v9 =	vld.idx.msk [tilespmem:v12+s14+$0x0], $0xffff;
	v12 =	vor.u32 $0x180, v0;
	[tilespmem:s30+$0x11200] =	vst v3  }
0xc4: {  	v13 =	vor.u32 $0x100, v1;
	v7 =	vld.idx.msk [tilespmem:v7+s14+$0x0], $0xffff  }
0xc5: {  	v14 =	vor.u32 $0x300, v4;
	v15 =	vld.idx.msk [tilespmem:v2+s14+$0x0], $0xffff;
	[tilespmem:s29+$0x11180] =	vst v6  }
0xc6: {  	s9 =	simm.s32 $0x860;
	v3 =	vshll.u32 v5, $0x3;
	v6 =	vld.idx.msk [tilespmem:v8+s14+$0x0], $0xffff;
	v8 =	vor.u32 $0x80, v2  }
0xc7: {  	v16 =	vld [tilespmem:s9+$0x0];
	s12 =	simm.s32 $0x4200;
	s11 =	simm.s32 $0x840;
	v5 =	vand.u32 $0x7F, v5;
	[tilespmem:s28+$0x11100] =	vst v11;
	v3 =	vand.u32 $0xFFFFFC00, v3;
	v11 =	vor.u32 $0x280, v10  }
0xc8: {  	s0 =	sand.u32 $0x7C00, s12;
	s1 =	sand.u32 $0x70, s11;
	v3 =	vor.u32 v5, v3;
	v12 =	vld.idx.msk [tilespmem:v12+s14+$0x0], $0xffff;
	[tilespmem:s31+$0x11080] =	vst v9  }
0xc9: {  	s0 =	sor.u32 s1, s0;
	v5 =	vld.idx.msk [tilespmem:v13+s14+$0x0], $0xffff;
	[tilespmem:s30+$0x11280] =	vst v7  }
0xca: {  	v9 =	vor.u32 $0x200, v0;
	[tilespmem:s0+$0x11000] =	vst v15;
	v7 =	vld.idx.msk [tilespmem:v14+s14+$0x0], $0xffff  }
0xcb: {  	v13 =	vor.u32 $0x180, v1;
	v8 =	vld.idx.msk [tilespmem:v8+s14+$0x0], $0xffff;
	[tilespmem:s29+$0x11200] =	vst v6  }
0xcc: {  	v6 =	vld.idx.msk [tilespmem:v11+s14+$0x0], $0xffff;
	v11 =	vor.u32 $0x380, v4  }
0xcd: {  	s3 =	simm.s32 $0x870;
	v14 =	vor.u32 $0x100, v2;
	v15 =	vld.idx.msk [tilespmem:v3+s14+$0x0], $0xffff  }
0xce: {  	v17 =	vld [tilespmem:s3+$0x0];
	v19 =	vor.u32 $0x80, v3;
	[tilespmem:s28+$0x11180] =	vst v12  }
0xcf: {  	s13 =	simm.s32 $0x850;
	s8 =	simm.s32 $0x4280;
	v4 =	vshll.u32 v16, $0x3;
	v12 =	vor.u32 $0x300, v10;
	v18 =	vld.idx.msk [tilespmem:v9+s14+$0x0], $0xffff;
	[tilespmem:s31+$0x11100] =	vst v5  }
0xd0: {  	s1 =	sand.u32 $0x70, s13;
	v20 =	vor.u32 $0x280, v0;
	s16 =	sand.u32 $0x7C00, s8;
	v4 =	vand.u32 $0xFFFFFC00, v4;
	v5 =	vand.u32 $0x7F, v16;
	v21 =	vld.idx.msk [tilespmem:v13+s14+$0x0], $0xffff;
	[tilespmem:s30+$0x11300] =	vst v7  }
0xd1: {  	s1 =	sor.u32 s1, s16;
	v4 =	vor.u32 v5, v4;
	[tilespmem:s0+$0x11080] =	vst v8;
	v13 =	vld.idx.msk [tilespmem:v11+s14+$0x0], $0xffff  }
0xd2: {  	v14 =	vld.idx.msk [tilespmem:v14+s14+$0x0], $0xffff;
	[tilespmem:s1+$0x11000] =	vst v15;
	v15 =	vor.u32 $0x200, v1  }
0xd3: {  	[tilespmem:s29+$0x11280] =	vst v6;
	v16 =	vld.idx.msk [tilespmem:v19+s14+$0x0], $0xffff  }
0xd4: {  	v10 =	vor.u32 $0x380, v10;
	v12 =	vld.idx.msk [tilespmem:v12+s14+$0x0], $0xffff;
	[tilespmem:s28+$0x11200] =	vst v18;
	v18 =	vor.u32 $0x180, v2  }
0xd5: {  	s9 =	simm.s32 $0x870;
	s23 =	simm.s32 $0x860;
	v9 =	vor.u32 $0x300, v0;
	v8 =	vor.u32 $0x300, v1;
	v5 =	vor.u32 $0x300, v2;
	v11 =	vld.idx.msk [tilespmem:v20+s14+$0x0], $0xffff  }
0xd6: {  	s4 =	sand.u32 $0x70, s9;
	s2 =	sand.u32 $0x70, s23;
	v7 =	vor.u32 $0x300, v3;
	v6 =	vor.u32 $0x300, v4;
	v19 =	vor.u32 $0x100, v3;
	v20 =	vld.idx.msk [tilespmem:v4+s14+$0x0], $0xffff;
	[tilespmem:s31+$0x11180] =	vst v21  }
.LBB2_5:
0xd7: {  	s9 =	sadd.s32 $0x10, s9;
	s3 =	sadd.s32 $0x10, s3;
	v21 =	vld.idx.msk [tilespmem:v15+s14+$0x0], $0xffff;
	[tilespmem:s30+$0x11380] =	vst v13;
	s30 =	smov.u32 s29  }
0xd8: {  	v13 =	vshll.u32 v17, $0x3;
	v23 =	vor.u32 $0x80, v4;
	s29 =	smov.u32 s28;
	v22 =	vld [tilespmem:s3+$0x0];
	s6 =	sand.u32 $0x70, s9;
	p0 =	slt.u32 s9, $0xFF0;
	[tilespmem:s0+$0x11100] =	vst v14  }
0xd9: {  	s8 =	sadd.s32 $0x80, s8;
	v25 =	vor.u32 $0x280, v1;
	s28 =	smov.u32 s31;
	s31 =	smov.u32 s0;
	v14 =	vand.u32 $0x7F, v17;
	v13 =	vand.u32 $0xFFFFFC00, v13;
	v24 =	vld.idx.msk [tilespmem:v18+s14+$0x0], $0xffff;
	[tilespmem:s30+$0x11300] =	vst v12  }
0xda: {  	s7 =	sand.u32 $0x7C00, s8;
	s0 =	smov.u32 s1;
	v26 =	vor.u32 v14, v13;
	[tilespmem:s1+$0x11080] =	vst v16;
	v13 =	vld.idx.msk [tilespmem:v10+s14+$0x0], $0xffff  }
.Ltmp3:
0xdb: {  	v15 =	vor.u32 $0x200, v2;
	v10 =	vor.u32 $0x300, v26;
	s1 =	sor.u32 s2, s7;
	s2 =	smov.u32 s4;
	v14 =	vld.idx.msk [tilespmem:v19+s14+$0x0], $0xffff;
	[tilespmem:s29+$0x11280] =	vst v11;
	(pc) =	sbr.rel @p0 .LBB2_5-.Ltmp3, $4  }
0xdc: {  	s4 =	smov.u32 s6;
	[tilespmem:s1+$0x11000] =	vst v20;
	v12 =	vld.idx.msk [tilespmem:v9+s14+$0x0], $0xffff;
	v9 =	vmovc v8;
	v8 =	vmovc v5;
	v5 =	vmov v7;
	v7 =	vmov v6;
	v6 =	vmov v10  }
0xdd: {  	v18 =	vor.u32 $0x180, v3;
	v16 =	vld.idx.msk [tilespmem:v23+s14+$0x0], $0xffff;
	[tilespmem:s28+$0x11200] =	vst v21;
	v17 =	vmov v22  }
0xde: {  	v10 =	vor.u32 $0x380, v0;
	v0 =	vmovc v1;
	v1 =	vmovc v2;
	v2 =	vmov v3;
	v3 =	vmov v4;
	v11 =	vld.idx.msk [tilespmem:v25+s14+$0x0], $0xffff  }
0xdf: {  	v4 =	vmov v26;
	v19 =	vor.u32 $0x100, v3;
	v20 =	vld.idx.msk [tilespmem:v26+s14+$0x0], $0xffff;
	[tilespmem:s31+$0x11180] =	vst v24  }
0xe0: {  	v21 =	vshll.u32 v17, $0x3  }
0xe1: {  	v17 =	vand.u32 $0x7F, v17;
	v21 =	vand.u32 $0xFFFFFC00, v21  }
0xe2: {  	v17 =	vor.u32 v17, v21;
	_ =	sdelay $0x4  }
0xe3: {  	v21 =	vor.u32 $0x80, v4;
	v22 =	vld.idx.msk [tilespmem:v17+s14+$0x0], $0xffff  }
0xe4: {  	s3 =	sadd.s32 $0x80, s8;
	v23 =	vor.u32 $0x80, v17  }
0xe5: {  	s6 =	sand.u32 $0x7C00, s3;
	s7 =	sadd.s32 $0x80, s3  }
0xe6: {  	s16 =	sor.u32 s2, s6;
	s23 =	sand.u32 $0x7C00, s7  }
0xe7: {  	s6 =	sor.u32 s4, s23;
	[tilespmem:s16+$0x11000] =	vst v20  }
0xe8: {  	v20 =	vld.idx.msk [tilespmem:v21+s14+$0x0], $0xffff;
	[tilespmem:s6+$0x11000] =	vst v22  }
0xe9: {  	v21 =	vor.u32 $0x100, v4;
	v22 =	vld.idx.msk [tilespmem:v23+s14+$0x0], $0xffff  }
0xea: {  	v23 =	vor.u32 $0x100, v17;
	_ =	sdelay $0x1  }
0xeb: {  	[tilespmem:s1+$0x11080] =	vst v16  }
0xec: {  	v16 =	vld.idx.msk [tilespmem:v19+s14+$0x0], $0xffff;
	[tilespmem:s16+$0x11080] =	vst v20  }
0xed: {  	v19 =	vor.u32 $0x180, v3;
	v20 =	vld.idx.msk [tilespmem:v21+s14+$0x0], $0xffff;
	[tilespmem:s6+$0x11080] =	vst v22  }
0xee: {  	v21 =	vor.u32 $0x180, v4;
	v22 =	vld.idx.msk [tilespmem:v23+s14+$0x0], $0xffff  }
0xef: {  	v23 =	vor.u32 $0x180, v17  }
0xf0: {  	[tilespmem:s0+$0x11100] =	vst v14  }
0xf1: {  	v14 =	vld.idx.msk [tilespmem:v18+s14+$0x0], $0xffff;
	[tilespmem:s1+$0x11100] =	vst v16  }
0xf2: {  	v16 =	vor.u32 $0x200, v2;
	v18 =	vld.idx.msk [tilespmem:v19+s14+$0x0], $0xffff;
	[tilespmem:s16+$0x11100] =	vst v20  }
0xf3: {  	v19 =	vor.u32 $0x200, v3;
	v20 =	vld.idx.msk [tilespmem:v21+s14+$0x0], $0xffff;
	[tilespmem:s6+$0x11100] =	vst v22  }
0xf4: {  	[tilespmem:s30+$0x11380] =	vst v13;
	v13 =	vor.u32 $0x200, v4;
	v21 =	vld.idx.msk [tilespmem:v23+s14+$0x0], $0xffff  }
0xf5: {  	[tilespmem:s29+$0x11300] =	vst v12;
	v12 =	vor.u32 $0x200, v17  }
0xf6: {  	v15 =	vld.idx.msk [tilespmem:v15+s14+$0x0], $0xffff;
	[tilespmem:s0+$0x11180] =	vst v14  }
0xf7: {  	v14 =	vor.u32 $0x280, v1;
	v16 =	vld.idx.msk [tilespmem:v16+s14+$0x0], $0xffff;
	[tilespmem:s1+$0x11180] =	vst v18  }
0xf8: {  	v18 =	vor.u32 $0x280, v2;
	v19 =	vld.idx.msk [tilespmem:v19+s14+$0x0], $0xffff;
	[tilespmem:s16+$0x11180] =	vst v20  }
0xf9: {  	v20 =	vor.u32 $0x280, v3;
	v13 =	vld.idx.msk [tilespmem:v13+s14+$0x0], $0xffff;
	[tilespmem:s6+$0x11180] =	vst v21  }
0xfa: {  	[tilespmem:s28+$0x11280] =	vst v11;
	v11 =	vor.u32 $0x280, v4;
	v12 =	vld.idx.msk [tilespmem:v12+s14+$0x0], $0xffff  }
0xfb: {  	v10 =	vld.idx.msk [tilespmem:v10+s14+$0x0], $0xffff;
	[tilespmem:s31+$0x11200] =	vst v15;
	v15 =	vor.u32 $0x280, v17  }
0xfc: {  	v14 =	vld.idx.msk [tilespmem:v14+s14+$0x0], $0xffff;
	[tilespmem:s0+$0x11200] =	vst v16  }
0xfd: {  	v16 =	vld.idx.msk [tilespmem:v18+s14+$0x0], $0xffff;
	[tilespmem:s1+$0x11200] =	vst v19  }
0xfe: {  	v18 =	vld.idx.msk [tilespmem:v20+s14+$0x0], $0xffff;
	[tilespmem:s16+$0x11200] =	vst v13  }
0xff: {  	v11 =	vld.idx.msk [tilespmem:v11+s14+$0x0], $0xffff;
	[tilespmem:s6+$0x11200] =	vst v12  }
0x100: {  	[tilespmem:s29+$0x11380] =	vst v10;
	v10 =	vld.idx.msk [tilespmem:v15+s14+$0x0], $0xffff  }
0x101: {  	v9 =	vld.idx.msk [tilespmem:v9+s14+$0x0], $0xffff;
	[tilespmem:s31+$0x11280] =	vst v14;
	v12 =	vor.u32 $0x300, v17  }
0x102: {  	v0 =	vor.u32 $0x380, v0;
	v8 =	vld.idx.msk [tilespmem:v8+s14+$0x0], $0xffff;
	[tilespmem:s0+$0x11280] =	vst v16  }
0x103: {  	v1 =	vor.u32 $0x380, v1;
	v5 =	vld.idx.msk [tilespmem:v5+s14+$0x0], $0xffff;
	[tilespmem:s1+$0x11280] =	vst v18  }
0x104: {  	v2 =	vor.u32 $0x380, v2;
	v7 =	vld.idx.msk [tilespmem:v7+s14+$0x0], $0xffff;
	[tilespmem:s16+$0x11280] =	vst v11  }
0x105: {  	v3 =	vor.u32 $0x380, v3;
	v6 =	vld.idx.msk [tilespmem:v6+s14+$0x0], $0xffff;
	[tilespmem:s6+$0x11280] =	vst v10  }
0x106: {  	[tilespmem:s28+$0x11300] =	vst v9;
	v4 =	vor.u32 $0x380, v4;
	v9 =	vld.idx.msk [tilespmem:v12+s14+$0x0], $0xffff  }
0x107: {  	v0 =	vld.idx.msk [tilespmem:v0+s14+$0x0], $0xffff;
	[tilespmem:s31+$0x11300] =	vst v8;
	v8 =	vor.u32 $0x380, v17  }
0x108: {  	v1 =	vld.idx.msk [tilespmem:v1+s14+$0x0], $0xffff;
	[tilespmem:s0+$0x11300] =	vst v5  }
0x109: {  	v2 =	vld.idx.msk [tilespmem:v2+s14+$0x0], $0xffff;
	[tilespmem:s1+$0x11300] =	vst v7  }
0x10a: {  	v3 =	vld.idx.msk [tilespmem:v3+s14+$0x0], $0xffff;
	[tilespmem:s16+$0x11300] =	vst v6  }
0x10b: {  	v4 =	vld.idx.msk [tilespmem:v4+s14+$0x0], $0xffff;
	[tilespmem:s6+$0x11300] =	vst v9  }
0x10c: {  	[tilespmem:s28+$0x11380] =	vst v0;
	v0 =	vld.idx.msk [tilespmem:v8+s14+$0x0], $0xffff  }
0x10d: {  	[tilespmem:s31+$0x11380] =	vst v1  }
0x10e: {  	[tilespmem:s0+$0x11380] =	vst v2  }
0x10f: {  	[tilespmem:s1+$0x11380] =	vst v3  }
0x110: {  	[tilespmem:s16+$0x11380] =	vst v4  }
0x111: {  	s8 =	simm.s32 $0x15000;
	s7 =	sadd.s32 s26, s10;
	[tilespmem:s6+$0x11380] =	vst v0  }
0x112: {  	[hbm4b:s7+s5] =	stream.linear.scatter [tilespmem:s8], [sflag:$0x4], $0x4000, $0x38;
	[tilespmem:$0x19000] =	vst v63  }
0x113: {  	p0 =	seq.s32 s24, $0x7;
	s0 =	rddreg [dreg:$0x7]  }
0x114: {  	s0 =	sadd.s32 @!p0 s25, s0  }
0x115: {  	s1 =	rddreg [dreg:$0x0];
	s0 =	sshll.u32 @!p0 s0, $0x9  }
0x116: {  	s2 =	simm.s32 @!p0 $0x1000;
	s0 =	sadd.s32 @!p0 s1, s0;
	s1 =	simm.s32 @!p0 $0x0  }
0x117: {  	[tilespmem:s2], [sflag:$0x1] =	stream.linear.gather @!p0 [hbm4b:s0+s1], $0x8000, $0x38;
	[tilespmem:$0x19000] =	vst v63  }
0x118: {  	_ =	swait.ge [sflag:s20], $0x8000  }
0x119: {  	[sflag:s20] =	ssyncset.done $0x0  }
0x11a: {  	[sflag:s20] =	ssyncadd.s32 $0xFFFF8000  }
0x11b: {  	_ =	swait.ge [sflag:s21], $0x4000  }
0x11c: {  	[sflag:s21] =	ssyncset.done $0x0  }
0x11d: {  	s1 =	simm.s32 $0x0;
	[sflag:s21] =	ssyncadd.s32 $0xFFFFC000  }
0x11e: {  	v0 =	vld [tilespmem:s1+$0x0];
	_ =	sdelay $0x4  }
0x11f: {  	v1 =	vshll.u32 v0, $0x3  }
0x120: {  	v0 =	vand.u32 $0x7F, v0;
	v1 =	vand.u32 $0xFFFFFC00, v1  }
0x121: {  	s9 =	simm.s32 $0x10;
	v4 =	vor.u32 v0, v1  }
0x122: {  	v0 =	vld [tilespmem:s9+$0x0];
	_ =	sdelay $0x3  }
0x123: {  	v1 =	vld.idx.msk [tilespmem:v4+s15+$0x0], $0xffff  }
0x124: {  	v3 =	vor.u32 $0x80, v4;
	v2 =	vshll.u32 v0, $0x3  }
0x125: {  	s11 =	simm.s32 $0x0;
	v0 =	vand.u32 $0x7F, v0;
	v2 =	vand.u32 $0xFFFFFC00, v2  }
0x126: {  	s12 =	simm.s32 $0x20;
	s0 =	sand.u32 $0x70, s11;
	s13 =	sand.u32 $0x3C00, s1;
	v7 =	vor.u32 v0, v2  }
0x127: {  	s0 =	sor.u32 s0, s13;
	v0 =	vld [tilespmem:s12+$0x0]  }
0x128: {  	[tilespmem:s0+$0x11000] =	vst v1  }
0x129: {  	v1 =	vld.idx.msk [tilespmem:v3+s15+$0x0], $0xffff  }
0x12a: {  	v2 =	vor.u32 $0x100, v4  }
0x12b: {  	v3 =	vld.idx.msk [tilespmem:v7+s15+$0x0], $0xffff  }
0x12c: {  	s26 =	simm.s32 $0x80;
	v6 =	vor.u32 $0x80, v7;
	v5 =	vshll.u32 v0, $0x3  }
0x12d: {  	s23 =	simm.s32 $0x30;
	s16 =	simm.s32 $0x10;
	s0 =	sadd.s32 $0x11000, s0;
	v0 =	vand.u32 $0x7F, v0;
	v5 =	vand.u32 $0xFFFFFC00, v5  }
0x12e: {  	s4 =	sand.u32 $0x3C00, s26;
	s2 =	sand.u32 $0x70, s16;
	v8 =	vld [tilespmem:s23+$0x0];
	v0 =	vor.u32 v0, v5;
	[tilespmem:s0+$0x80] =	vst v1  }
0x12f: {  	s2 =	sor.u32 s2, s4;
	v1 =	vld.idx.msk [tilespmem:v2+s15+$0x0], $0xffff  }
0x130: {  	[tilespmem:s2+$0x11000] =	vst v3;
	v2 =	vor.u32 $0x180, v4  }
0x131: {  	v3 =	vld.idx.msk [tilespmem:v6+s15+$0x0], $0xffff  }
0x132: {  	v5 =	vor.u32 $0x100, v7  }
0x133: {  	v9 =	vshll.u32 v8, $0x3;
	v6 =	vld.idx.msk [tilespmem:v0+s15+$0x0], $0xffff  }
0x134: {  	s6 =	simm.s32 $0x20;
	v10 =	vor.u32 $0x80, v0;
	[tilespmem:s0+$0x100] =	vst v1;
	v1 =	vand.u32 $0x7F, v8;
	v8 =	vand.u32 $0xFFFFFC00, v9  }
0x135: {  	s7 =	simm.s32 $0x40;
	s8 =	simm.s32 $0x100;
	s28 =	sadd.s32 $0x11000, s2;
	v2 =	vld.idx.msk [tilespmem:v2+s15+$0x0], $0xffff;
	v1 =	vor.u32 v1, v8  }
0x136: {  	s3 =	sand.u32 $0x70, s6;
	s2 =	sand.u32 $0x3C00, s8;
	v8 =	vld [tilespmem:s7+$0x0];
	[tilespmem:s28+$0x80] =	vst v3;
	v3 =	vor.u32 $0x200, v4  }
0x137: {  	s2 =	sor.u32 s3, s2;
	v5 =	vld.idx.msk [tilespmem:v5+s15+$0x0], $0xffff  }
0x138: {  	[tilespmem:s2+$0x11000] =	vst v6;
	v6 =	vor.u32 $0x180, v7  }
0x139: {  	v9 =	vld.idx.msk [tilespmem:v10+s15+$0x0], $0xffff  }
0x13a: {  	v11 =	vor.u32 $0x100, v0;
	v10 =	vld.idx.msk [tilespmem:v1+s15+$0x0], $0xffff;
	[tilespmem:s0+$0x180] =	vst v2  }
0x13b: {  	s11 =	simm.s32 $0x180;
	v12 =	vor.u32 $0x80, v1;
	v2 =	vshll.u32 v8, $0x3;
	v3 =	vld.idx.msk [tilespmem:v3+s15+$0x0], $0xffff  }
0x13c: {  	s13 =	sand.u32 $0x3C00, s11;
	s9 =	simm.s32 $0x30;
	[tilespmem:s28+$0x100] =	vst v5;
	v5 =	vand.u32 $0x7F, v8;
	v2 =	vand.u32 $0xFFFFFC00, v2;
	v8 =	vor.u32 $0x280, v4  }
0x13d: {  	s12 =	simm.s32 $0x50;
	s3 =	sand.u32 $0x70, s9;
	s26 =	sadd.s32 $0x11000, s2;
	v6 =	vld.idx.msk [tilespmem:v6+s15+$0x0], $0xffff;
	v2 =	vor.u32 v5, v2  }
0x13e: {  	s2 =	sor.u32 s3, s13;
	v5 =	vld [tilespmem:s12+$0x0];
	[tilespmem:s26+$0x80] =	vst v9;
	v9 =	vor.u32 $0x200, v7  }
0x13f: {  	v11 =	vld.idx.msk [tilespmem:v11+s15+$0x0], $0xffff;
	[tilespmem:s2+$0x11000] =	vst v10  }
0x140: {  	v10 =	vld.idx.msk [tilespmem:v12+s15+$0x0], $0xffff;
	v12 =	vor.u32 $0x180, v0;
	[tilespmem:s0+$0x200] =	vst v3  }
0x141: {  	v13 =	vor.u32 $0x100, v1;
	v8 =	vld.idx.msk [tilespmem:v8+s15+$0x0], $0xffff  }
0x142: {  	v14 =	vor.u32 $0x300, v4;
	v15 =	vld.idx.msk [tilespmem:v2+s15+$0x0], $0xffff;
	[tilespmem:s28+$0x180] =	vst v6  }
0x143: {  	s16 =	simm.s32 $0x60;
	v3 =	vshll.u32 v5, $0x3;
	v6 =	vld.idx.msk [tilespmem:v9+s15+$0x0], $0xffff;
	v9 =	vor.u32 $0x80, v2  }
0x144: {  	s6 =	simm.s32 $0x200;
	s23 =	simm.s32 $0x40;
	v17 =	vld [tilespmem:s16+$0x0];
	s29 =	sadd.s32 $0x11000, s2;
	v5 =	vand.u32 $0x7F, v5;
	[tilespmem:s26+$0x100] =	vst v11;
	v3 =	vand.u32 $0xFFFFFC00, v3;
	v11 =	vor.u32 $0x280, v7  }
0x145: {  	s7 =	sand.u32 $0x70, s23;
	s2 =	sand.u32 $0x3C00, s6;
	v3 =	vor.u32 v5, v3;
	v12 =	vld.idx.msk [tilespmem:v12+s15+$0x0], $0xffff;
	[tilespmem:s29+$0x80] =	vst v10  }
0x146: {  	s2 =	sor.u32 s7, s2;
	v5 =	vld.idx.msk [tilespmem:v13+s15+$0x0], $0xffff;
	[tilespmem:s0+$0x280] =	vst v8  }
0x147: {  	v10 =	vor.u32 $0x200, v0;
	[tilespmem:s2+$0x11000] =	vst v15;
	v8 =	vld.idx.msk [tilespmem:v14+s15+$0x0], $0xffff  }
0x148: {  	s1 =	sand.u32 $0x7, s1;
	s16 =	simm.s32 $0x280;
	v13 =	vor.u32 $0x180, v1;
	v9 =	vld.idx.msk [tilespmem:v9+s15+$0x0], $0xffff;
	[tilespmem:s28+$0x200] =	vst v6  }
0x149: {  	s1 =	sshll.u32 s1, $0x4;
	s8 =	simm.s32 $0x1;
	s9 =	simm.s32 $0x2;
	v6 =	vld.idx.msk [tilespmem:v11+s15+$0x0], $0xffff;
	v11 =	vor.u32 $0x380, v4  }
0x14a: {  	s23 =	simm.s32 $0x3;
	s3 =	sand.u32 $0x7, s8;
	s8 =	simm.s32 $0x70;
	v14 =	vor.u32 $0x100, v2;
	v15 =	vld.idx.msk [tilespmem:v3+s15+$0x0], $0xffff  }
0x14b: {  	s13 =	simm.s32 $0x50;
	s4 =	sand.u32 $0x7, s23;
	s11 =	sshll.u32 s3, $0x4;
	v16 =	vld [tilespmem:s8+$0x0];
	v18 =	vor.u32 $0x80, v3;
	[tilespmem:s26+$0x180] =	vst v12  }
0x14c: {  	s12 =	sand.u32 $0x7, s9;
	s6 =	sand.u32 $0x70, s13;
	s7 =	sadd.s32 $0x0, s1;
	v4 =	vshll.u32 v17, $0x3;
	v12 =	vor.u32 $0x300, v7;
	v10 =	vld.idx.msk [tilespmem:v10+s15+$0x0], $0xffff;
	[tilespmem:s29+$0x100] =	vst v5  }
0x14d: {  	s1 =	sadd.s32 $0x80, s11;
	s11 =	sand.u32 $0x3C00, s16;
	s31 =	sadd.s32 $0x11000, s2;
	v4 =	vand.u32 $0xFFFFFC00, v4;
	v5 =	vand.u32 $0x7F, v17;
	v21 =	vld.idx.msk [tilespmem:v13+s15+$0x0], $0xffff;
	v13 =	vor.u32 $0x280, v0;
	[tilespmem:s0+$0x300] =	vst v8  }
0x14e: {  	s9 =	sshll.u32 s4, $0x4;
	s3 =	sshll.u32 s12, $0x4;
	s23 =	sor.u32 s6, s11;
	v4 =	vor.u32 v5, v4;
	[tilespmem:s31+$0x80] =	vst v9;
	v11 =	vld.idx.msk [tilespmem:v11+s15+$0x0], $0xffff  }
0x14f: {  	s12 =	simm.s32 $0x4;
	s30 =	sadd.s32 $0x100, s3;
	s13 =	simm.s32 $0x60;
	v14 =	vld.idx.msk [tilespmem:v14+s15+$0x0], $0xffff;
	[tilespmem:s23+$0x11000] =	vst v15;
	v15 =	vor.u32 $0x200, v1  }
0x150: {  	s4 =	sand.u32 $0x7, s12;
	s3 =	simm.s32 $0x5;
	s12 =	sand.u32 $0x70, s13;
	[tilespmem:s28+$0x280] =	vst v6;
	v17 =	vld.idx.msk [tilespmem:v18+s15+$0x0], $0xffff  }
0x151: {  	s6 =	sshll.u32 s4, $0x4;
	v19 =	vor.u32 $0x100, v3;
	s0 =	sadd.s32 $0x180, s9;
	s9 =	sand.u32 $0x7, s3;
	v18 =	vor.u32 $0x180, v2;
	v12 =	vld.idx.msk [tilespmem:v12+s15+$0x0], $0xffff;
	[tilespmem:s26+$0x200] =	vst v10  }
0x152: {  	s7 =	sor.u32 $0x380, s7;
	s2 =	simm.s32 $0x70;
	v7 =	vor.u32 $0x380, v7;
	v8 =	vor.u32 $0x300, v0;
	v5 =	vor.u32 $0x300, v2;
	s11 =	sshll.u32 s9, $0x4;
	v13 =	vld.idx.msk [tilespmem:v13+s15+$0x0], $0xffff  }
0x153: {  	s13 =	sadd.s32 $0x200, s6;
	s4 =	sand.u32 $0x70, s2;
	v9 =	vor.u32 $0x300, v3;
	v6 =	vor.u32 $0x300, v1;
	s9 =	sadd.s32 $0x280, s11;
	v10 =	vor.u32 $0x300, v4;
	v20 =	vld.idx.msk [tilespmem:v4+s15+$0x0], $0xffff;
	[tilespmem:s29+$0x180] =	vst v21  }
.LBB2_7:
0x154: {  	s2 =	sadd.s32 $0x10, s2;
	s8 =	sadd.s32 $0x10, s8;
	s3 =	sadd.s32 $0x1, s3;
	v21 =	vld.idx.msk [tilespmem:v15+s15+$0x0], $0xffff;
	[tilespmem:s7+$0x11000] =	vst v11  }
0x155: {  	v11 =	vshll.u32 v16, $0x3;
	v23 =	vor.u32 $0x80, v4;
	s6 =	sand.u32 $0x70, s2;
	v22 =	vld [tilespmem:s8+$0x0];
	p1 =	slt.u32 s2, $0x7F0;
	s7 =	sand.u32 $0x7, s3;
	[tilespmem:s31+$0x100] =	vst v14  }
0x156: {  	s11 =	sadd.s32 $0x11000, s23;
	s16 =	sadd.s32 $0x80, s16;
	v25 =	vor.u32 $0x280, v1;
	v14 =	vand.u32 $0x7F, v16;
	v11 =	vand.u32 $0xFFFFFC00, v11;
	s7 =	sshll.u32 s7, $0x4;
	v24 =	vld.idx.msk [tilespmem:v18+s15+$0x0], $0xffff;
	[tilespmem:s28+$0x300] =	vst v12  }
0x157: {  	s23 =	sand.u32 $0x3C00, s16;
	v26 =	vor.u32 v14, v11;
	s28 =	smov.u32 s26;
	s7 =	sadd.s32 s7, s16;
	[tilespmem:s11+$0x80] =	vst v17;
	v11 =	vld.idx.msk [tilespmem:v7+s15+$0x0], $0xffff  }
.Ltmp4:
0x158: {  	v15 =	vor.u32 $0x200, v2;
	s23 =	sor.u32 s12, s23;
	s12 =	smov.u32 s4;
	v7 =	vor.u32 $0x300, v26;
	v14 =	vld.idx.msk [tilespmem:v19+s15+$0x0], $0xffff;
	[tilespmem:s28+$0x280] =	vst v13;
	(pc) =	sbr.rel @p1 .LBB2_7-.Ltmp4, $4  }
0x159: {  	s4 =	smov.u32 s6;
	s26 =	smov.u32 s29;
	s29 =	smov.u32 s31;
	[tilespmem:s23+$0x11000] =	vst v20;
	v12 =	vld.idx.msk [tilespmem:v8+s15+$0x0], $0xffff;
	v8 =	vmovc v6;
	v6 =	vmovc v5;
	v5 =	vmov v9;
	v9 =	vmov v10;
	v10 =	vmov v7  }
0x15a: {  	v18 =	vor.u32 $0x180, v3;
	s31 =	smov.u32 s11;
	s6 =	smov.u32 s0;
	s0 =	smov.u32 s13;
	v17 =	vld.idx.msk [tilespmem:v23+s15+$0x0], $0xffff;
	[tilespmem:s26+$0x200] =	vst v21;
	v16 =	vmov v22  }
0x15b: {  	s13 =	smov.u32 s9;
	s9 =	smov.u32 s7;
	v7 =	vor.u32 $0x380, v0;
	v0 =	vmovc v1;
	v1 =	vmovc v2;
	v2 =	vmov v3;
	v3 =	vmov v4;
	v13 =	vld.idx.msk [tilespmem:v25+s15+$0x0], $0xffff  }
0x15c: {  	s7 =	sor.u32 $0x380, s1;
	s1 =	smov.u32 s30;
	s30 =	smov.u32 s6;
	v4 =	vmov v26;
	v19 =	vor.u32 $0x100, v3;
	v20 =	vld.idx.msk [tilespmem:v26+s15+$0x0], $0xffff;
	[tilespmem:s29+$0x180] =	vst v24  }
0x15d: {  	v21 =	vshll.u32 v16, $0x3  }
0x15e: {  	v16 =	vand.u32 $0x7F, v16;
	v21 =	vand.u32 $0xFFFFFC00, v21  }
0x15f: {  	v16 =	vor.u32 v16, v21;
	_ =	sdelay $0x4  }
0x160: {  	v21 =	vor.u32 $0x80, v4;
	v22 =	vld.idx.msk [tilespmem:v16+s15+$0x0], $0xffff  }
0x161: {  	s16 =	sadd.s32 $0x80, s16;
	v23 =	vor.u32 $0x80, v16  }
0x162: {  	s2 =	sand.u32 $0x3C00, s16;
	s8 =	sadd.s32 $0x80, s16  }
0x163: {  	s2 =	sor.u32 s12, s2;
	s6 =	sand.u32 $0x3C00, s8  }
0x164: {  	s6 =	sor.u32 s4, s6;
	[tilespmem:s2+$0x11000] =	vst v20  }
0x165: {  	v20 =	vld.idx.msk [tilespmem:v21+s15+$0x0], $0xffff;
	[tilespmem:s6+$0x11000] =	vst v22  }
0x166: {  	v21 =	vor.u32 $0x100, v4;
	v22 =	vld.idx.msk [tilespmem:v23+s15+$0x0], $0xffff  }
0x167: {  	v23 =	vor.u32 $0x100, v16  }
0x168: {  	s4 =	sadd.s32 $0x11000, s23  }
0x169: {  	s11 =	sadd.s32 $0x11000, s2;
	[tilespmem:s4+$0x80] =	vst v17  }
0x16a: {  	s23 =	sadd.s32 $0x11000, s6;
	v17 =	vld.idx.msk [tilespmem:v19+s15+$0x0], $0xffff;
	[tilespmem:s11+$0x80] =	vst v20  }
0x16b: {  	v19 =	vor.u32 $0x180, v3;
	v20 =	vld.idx.msk [tilespmem:v21+s15+$0x0], $0xffff;
	[tilespmem:s23+$0x80] =	vst v22  }
0x16c: {  	v21 =	vor.u32 $0x180, v4;
	v22 =	vld.idx.msk [tilespmem:v23+s15+$0x0], $0xffff  }
0x16d: {  	v23 =	vor.u32 $0x180, v16  }
0x16e: {  	[tilespmem:s31+$0x100] =	vst v14  }
0x16f: {  	v14 =	vld.idx.msk [tilespmem:v18+s15+$0x0], $0xffff;
	[tilespmem:s4+$0x100] =	vst v17  }
0x170: {  	v17 =	vor.u32 $0x200, v2;
	v18 =	vld.idx.msk [tilespmem:v19+s15+$0x0], $0xffff;
	[tilespmem:s11+$0x100] =	vst v20  }
0x171: {  	v19 =	vor.u32 $0x200, v3;
	v20 =	vld.idx.msk [tilespmem:v21+s15+$0x0], $0xffff;
	[tilespmem:s23+$0x100] =	vst v22  }
0x172: {  	[tilespmem:s7+$0x11000] =	vst v11;
	v11 =	vor.u32 $0x200, v4;
	v21 =	vld.idx.msk [tilespmem:v23+s15+$0x0], $0xffff  }
0x173: {  	[tilespmem:s28+$0x300] =	vst v12;
	v12 =	vor.u32 $0x200, v16  }
0x174: {  	v15 =	vld.idx.msk [tilespmem:v15+s15+$0x0], $0xffff;
	[tilespmem:s31+$0x180] =	vst v14  }
0x175: {  	v14 =	vor.u32 $0x280, v1;
	v17 =	vld.idx.msk [tilespmem:v17+s15+$0x0], $0xffff;
	[tilespmem:s4+$0x180] =	vst v18  }
0x176: {  	v18 =	vor.u32 $0x280, v2;
	v19 =	vld.idx.msk [tilespmem:v19+s15+$0x0], $0xffff;
	[tilespmem:s11+$0x180] =	vst v20  }
0x177: {  	v20 =	vor.u32 $0x280, v3;
	v11 =	vld.idx.msk [tilespmem:v11+s15+$0x0], $0xffff;
	[tilespmem:s23+$0x180] =	vst v21  }
0x178: {  	[tilespmem:s26+$0x280] =	vst v13;
	v13 =	vor.u32 $0x280, v4;
	v12 =	vld.idx.msk [tilespmem:v12+s15+$0x0], $0xffff  }
0x179: {  	v7 =	vld.idx.msk [tilespmem:v7+s15+$0x0], $0xffff;
	[tilespmem:s29+$0x200] =	vst v15;
	v15 =	vor.u32 $0x280, v16  }
0x17a: {  	v14 =	vld.idx.msk [tilespmem:v14+s15+$0x0], $0xffff;
	[tilespmem:s31+$0x200] =	vst v17  }
0x17b: {  	v17 =	vld.idx.msk [tilespmem:v18+s15+$0x0], $0xffff;
	[tilespmem:s4+$0x200] =	vst v19  }
0x17c: {  	v18 =	vld.idx.msk [tilespmem:v20+s15+$0x0], $0xffff;
	[tilespmem:s11+$0x200] =	vst v11  }
0x17d: {  	s1 =	sor.u32 $0x380, s1;
	v11 =	vld.idx.msk [tilespmem:v13+s15+$0x0], $0xffff;
	[tilespmem:s23+$0x200] =	vst v12  }
0x17e: {  	[tilespmem:s1+$0x11000] =	vst v7;
	v7 =	vld.idx.msk [tilespmem:v15+s15+$0x0], $0xffff  }
0x17f: {  	v8 =	vld.idx.msk [tilespmem:v8+s15+$0x0], $0xffff;
	[tilespmem:s29+$0x280] =	vst v14;
	v12 =	vor.u32 $0x300, v16  }
0x180: {  	v0 =	vor.u32 $0x380, v0;
	v6 =	vld.idx.msk [tilespmem:v6+s15+$0x0], $0xffff;
	[tilespmem:s31+$0x280] =	vst v17  }
0x181: {  	v1 =	vor.u32 $0x380, v1;
	v5 =	vld.idx.msk [tilespmem:v5+s15+$0x0], $0xffff;
	[tilespmem:s4+$0x280] =	vst v18  }
0x182: {  	v2 =	vor.u32 $0x380, v2;
	v9 =	vld.idx.msk [tilespmem:v9+s15+$0x0], $0xffff;
	[tilespmem:s11+$0x280] =	vst v11  }
0x183: {  	v3 =	vor.u32 $0x380, v3;
	v10 =	vld.idx.msk [tilespmem:v10+s15+$0x0], $0xffff;
	[tilespmem:s23+$0x280] =	vst v7  }
0x184: {  	[tilespmem:s26+$0x300] =	vst v8;
	v4 =	vor.u32 $0x380, v4;
	v7 =	vld.idx.msk [tilespmem:v12+s15+$0x0], $0xffff  }
0x185: {  	v0 =	vld.idx.msk [tilespmem:v0+s15+$0x0], $0xffff;
	[tilespmem:s29+$0x300] =	vst v6;
	v6 =	vor.u32 $0x380, v16  }
0x186: {  	v1 =	vld.idx.msk [tilespmem:v1+s15+$0x0], $0xffff;
	[tilespmem:s31+$0x300] =	vst v5  }
0x187: {  	v2 =	vld.idx.msk [tilespmem:v2+s15+$0x0], $0xffff;
	[tilespmem:s4+$0x300] =	vst v9  }
0x188: {  	v3 =	vld.idx.msk [tilespmem:v3+s15+$0x0], $0xffff;
	[tilespmem:s11+$0x300] =	vst v10  }
0x189: {  	s7 =	sor.u32 $0x380, s30;
	s0 =	sor.u32 $0x380, s0;
	s6 =	sadd.s32 $0x1, s3;
	v4 =	vld.idx.msk [tilespmem:v4+s15+$0x0], $0xffff;
	[tilespmem:s23+$0x300] =	vst v7  }
0x18a: {  	s12 =	sor.u32 $0x380, s13;
	s3 =	sand.u32 $0x7, s6;
	s1 =	sadd.s32 $0x1, s6;
	[tilespmem:s7+$0x11000] =	vst v0;
	v0 =	vld.idx.msk [tilespmem:v6+s15+$0x0], $0xffff  }
0x18b: {  	s13 =	sor.u32 $0x380, s9;
	s1 =	sand.u32 $0x7, s1;
	[tilespmem:s0+$0x11000] =	vst v1;
	s11 =	sshll.u32 s3, $0x4  }
0x18c: {  	s1 =	sshll.u32 s1, $0x4;
	[tilespmem:s12+$0x11000] =	vst v2;
	s2 =	sadd.s32 s11, s16;
	s16 =	sor.u32 s25, s19  }
0x18d: {  	s1 =	sadd.s32 s1, s8;
	s26 =	sshll.u32 s16, $0x9;
	[tilespmem:s13+$0x11000] =	vst v3;
	s23 =	sor.u32 $0x380, s2  }
0x18e: {  	s1 =	sor.u32 $0x380, s1;
	s26 =	sor.u32 $0x1000, s26;
	[tilespmem:s23+$0x11000] =	vst v4  }
0x18f: {  	s4 =	simm.s32 $0x11000;
	s3 =	sadd.s32 s18, s26;
	[tilespmem:s1+$0x11000] =	vst v0  }
0x190: {  	[hbm4b:s3+s5] =	stream.linear.scatter [tilespmem:s4], [sflag:$0x3], $0x4000, $0x38;
	[tilespmem:$0x19000] =	vst v63  }
0x191: {  	_ =	swait.ge [sflag:s22], $0x4000  }
0x192: {  	[sflag:s22] =	ssyncset.done $0x0  }
0x193: {  	s6 =	simm.s32 $0x800;
	[sflag:s22] =	ssyncadd.s32 $0xFFFFC000  }
0x194: {  	v0 =	vld [tilespmem:s6+$0x0];
	_ =	sdelay $0x4  }
0x195: {  	v1 =	vshll.u32 v0, $0x3  }
0x196: {  	v0 =	vand.u32 $0x7F, v0;
	v1 =	vand.u32 $0xFFFFFC00, v1  }
0x197: {  	s7 =	simm.s32 $0x810;
	v4 =	vor.u32 v0, v1  }
0x198: {  	v0 =	vld [tilespmem:s7+$0x0];
	_ =	sdelay $0x3  }
0x199: {  	v1 =	vld.idx.msk [tilespmem:v4+s15+$0x0], $0xffff  }
0x19a: {  	v3 =	vor.u32 $0x80, v4;
	v2 =	vshll.u32 v0, $0x3  }
0x19b: {  	s9 =	simm.s32 $0x800;
	s8 =	simm.s32 $0x4000;
	v0 =	vand.u32 $0x7F, v0;
	v2 =	vand.u32 $0xFFFFFC00, v2  }
0x19c: {  	s0 =	sand.u32 $0x7C00, s8;
	s11 =	simm.s32 $0x820;
	s1 =	sand.u32 $0x70, s9;
	v10 =	vor.u32 v0, v2  }
0x19d: {  	s30 =	sor.u32 s1, s0;
	v0 =	vld [tilespmem:s11+$0x0]  }
0x19e: {  	[tilespmem:s30+$0x11000] =	vst v1  }
0x19f: {  	v1 =	vld.idx.msk [tilespmem:v3+s15+$0x0], $0xffff  }
0x1a0: {  	v2 =	vor.u32 $0x100, v4  }
0x1a1: {  	v3 =	vld.idx.msk [tilespmem:v10+s15+$0x0], $0xffff  }
0x1a2: {  	v6 =	vor.u32 $0x80, v10;
	v5 =	vshll.u32 v0, $0x3  }
0x1a3: {  	s12 =	simm.s32 $0x810;
	s16 =	simm.s32 $0x4080;
	s13 =	simm.s32 $0x830;
	v0 =	vand.u32 $0x7F, v0;
	v5 =	vand.u32 $0xFFFFFC00, v5  }
0x1a4: {  	s23 =	sand.u32 $0x7C00, s16;
	s0 =	sand.u32 $0x70, s12;
	v7 =	vld [tilespmem:s13+$0x0];
	v0 =	vor.u32 v0, v5;
	[tilespmem:s30+$0x11080] =	vst v1  }
0x1a5: {  	s29 =	sor.u32 s0, s23;
	v1 =	vld.idx.msk [tilespmem:v2+s15+$0x0], $0xffff  }
0x1a6: {  	[tilespmem:s29+$0x11000] =	vst v3;
	v2 =	vor.u32 $0x180, v4  }
0x1a7: {  	v3 =	vld.idx.msk [tilespmem:v6+s15+$0x0], $0xffff  }
0x1a8: {  	v5 =	vor.u32 $0x100, v10  }
0x1a9: {  	v8 =	vshll.u32 v7, $0x3;
	v6 =	vld.idx.msk [tilespmem:v0+s15+$0x0], $0xffff  }
0x1aa: {  	v9 =	vor.u32 $0x80, v0;
	[tilespmem:s30+$0x11100] =	vst v1;
	v1 =	vand.u32 $0x7F, v7;
	v7 =	vand.u32 $0xFFFFFC00, v8  }
0x1ab: {  	s2 =	simm.s32 $0x840;
	s1 =	simm.s32 $0x820;
	s3 =	simm.s32 $0x4100;
	v2 =	vld.idx.msk [tilespmem:v2+s15+$0x0], $0xffff;
	v1 =	vor.u32 v1, v7  }
0x1ac: {  	s0 =	sand.u32 $0x70, s1;
	s4 =	sand.u32 $0x7C00, s3;
	v7 =	vld [tilespmem:s2+$0x0];
	[tilespmem:s29+$0x11080] =	vst v3;
	v3 =	vor.u32 $0x200, v4  }
0x1ad: {  	s28 =	sor.u32 s0, s4;
	v5 =	vld.idx.msk [tilespmem:v5+s15+$0x0], $0xffff  }
0x1ae: {  	[tilespmem:s28+$0x11000] =	vst v6;
	v6 =	vor.u32 $0x180, v10  }
0x1af: {  	v8 =	vld.idx.msk [tilespmem:v9+s15+$0x0], $0xffff  }
0x1b0: {  	v11 =	vor.u32 $0x100, v0;
	v9 =	vld.idx.msk [tilespmem:v1+s15+$0x0], $0xffff;
	[tilespmem:s30+$0x11180] =	vst v2  }
0x1b1: {  	v12 =	vor.u32 $0x80, v1;
	v2 =	vshll.u32 v7, $0x3;
	v3 =	vld.idx.msk [tilespmem:v3+s15+$0x0], $0xffff  }
0x1b2: {  	s6 =	simm.s32 $0x830;
	s7 =	simm.s32 $0x4180;
	[tilespmem:s29+$0x11100] =	vst v5;
	v5 =	vand.u32 $0x7F, v7;
	v2 =	vand.u32 $0xFFFFFC00, v2;
	v7 =	vor.u32 $0x280, v4  }
0x1b3: {  	s8 =	simm.s32 $0x850;
	s0 =	sand.u32 $0x70, s6;
	s1 =	sand.u32 $0x7C00, s7;
	v6 =	vld.idx.msk [tilespmem:v6+s15+$0x0], $0xffff;
	v2 =	vor.u32 v5, v2  }
0x1b4: {  	s31 =	sor.u32 s0, s1;
	v5 =	vld [tilespmem:s8+$0x0];
	[tilespmem:s28+$0x11080] =	vst v8;
	v8 =	vor.u32 $0x200, v10  }
0x1b5: {  	v11 =	vld.idx.msk [tilespmem:v11+s15+$0x0], $0xffff;
	[tilespmem:s31+$0x11000] =	vst v9  }
0x1b6: {  	v9 =	vld.idx.msk [tilespmem:v12+s15+$0x0], $0xffff;
	v12 =	vor.u32 $0x180, v0;
	[tilespmem:s30+$0x11200] =	vst v3  }
0x1b7: {  	v13 =	vor.u32 $0x100, v1;
	v7 =	vld.idx.msk [tilespmem:v7+s15+$0x0], $0xffff  }
0x1b8: {  	v14 =	vor.u32 $0x300, v4;
	v15 =	vld.idx.msk [tilespmem:v2+s15+$0x0], $0xffff;
	[tilespmem:s29+$0x11180] =	vst v6  }
0x1b9: {  	s9 =	simm.s32 $0x860;
	v3 =	vshll.u32 v5, $0x3;
	v6 =	vld.idx.msk [tilespmem:v8+s15+$0x0], $0xffff;
	v8 =	vor.u32 $0x80, v2  }
0x1ba: {  	s12 =	simm.s32 $0x4200;
	v16 =	vld [tilespmem:s9+$0x0];
	s11 =	simm.s32 $0x840;
	v5 =	vand.u32 $0x7F, v5;
	[tilespmem:s28+$0x11100] =	vst v11;
	v3 =	vand.u32 $0xFFFFFC00, v3;
	v11 =	vor.u32 $0x280, v10  }
0x1bb: {  	s0 =	sand.u32 $0x7C00, s12;
	s1 =	sand.u32 $0x70, s11;
	v3 =	vor.u32 v5, v3;
	v12 =	vld.idx.msk [tilespmem:v12+s15+$0x0], $0xffff;
	[tilespmem:s31+$0x11080] =	vst v9  }
0x1bc: {  	s0 =	sor.u32 s1, s0;
	v5 =	vld.idx.msk [tilespmem:v13+s15+$0x0], $0xffff;
	[tilespmem:s30+$0x11280] =	vst v7  }
0x1bd: {  	v9 =	vor.u32 $0x200, v0;
	[tilespmem:s0+$0x11000] =	vst v15;
	v7 =	vld.idx.msk [tilespmem:v14+s15+$0x0], $0xffff  }
0x1be: {  	v13 =	vor.u32 $0x180, v1;
	v8 =	vld.idx.msk [tilespmem:v8+s15+$0x0], $0xffff;
	[tilespmem:s29+$0x11200] =	vst v6  }
0x1bf: {  	v6 =	vld.idx.msk [tilespmem:v11+s15+$0x0], $0xffff;
	v11 =	vor.u32 $0x380, v4  }
0x1c0: {  	s3 =	simm.s32 $0x870;
	v14 =	vor.u32 $0x100, v2;
	v15 =	vld.idx.msk [tilespmem:v3+s15+$0x0], $0xffff  }
0x1c1: {  	v17 =	vld [tilespmem:s3+$0x0];
	v19 =	vor.u32 $0x80, v3;
	[tilespmem:s28+$0x11180] =	vst v12  }
0x1c2: {  	s13 =	simm.s32 $0x850;
	s8 =	simm.s32 $0x4280;
	v4 =	vshll.u32 v16, $0x3;
	v12 =	vor.u32 $0x300, v10;
	v18 =	vld.idx.msk [tilespmem:v9+s15+$0x0], $0xffff;
	[tilespmem:s31+$0x11100] =	vst v5  }
0x1c3: {  	s1 =	sand.u32 $0x70, s13;
	v20 =	vor.u32 $0x280, v0;
	s16 =	sand.u32 $0x7C00, s8;
	v4 =	vand.u32 $0xFFFFFC00, v4;
	v5 =	vand.u32 $0x7F, v16;
	v21 =	vld.idx.msk [tilespmem:v13+s15+$0x0], $0xffff;
	[tilespmem:s30+$0x11300] =	vst v7  }
0x1c4: {  	s1 =	sor.u32 s1, s16;
	v4 =	vor.u32 v5, v4;
	[tilespmem:s0+$0x11080] =	vst v8;
	v13 =	vld.idx.msk [tilespmem:v11+s15+$0x0], $0xffff  }
0x1c5: {  	v14 =	vld.idx.msk [tilespmem:v14+s15+$0x0], $0xffff;
	[tilespmem:s1+$0x11000] =	vst v15;
	v15 =	vor.u32 $0x200, v1  }
0x1c6: {  	[tilespmem:s29+$0x11280] =	vst v6;
	v16 =	vld.idx.msk [tilespmem:v19+s15+$0x0], $0xffff  }
0x1c7: {  	v10 =	vor.u32 $0x380, v10;
	v12 =	vld.idx.msk [tilespmem:v12+s15+$0x0], $0xffff;
	[tilespmem:s28+$0x11200] =	vst v18;
	v18 =	vor.u32 $0x180, v2  }
0x1c8: {  	s23 =	simm.s32 $0x860;
	s9 =	simm.s32 $0x870;
	v9 =	vor.u32 $0x300, v0;
	v8 =	vor.u32 $0x300, v1;
	v5 =	vor.u32 $0x300, v2;
	v11 =	vld.idx.msk [tilespmem:v20+s15+$0x0], $0xffff  }
0x1c9: {  	s4 =	sand.u32 $0x70, s9;
	s2 =	sand.u32 $0x70, s23;
	v7 =	vor.u32 $0x300, v3;
	v6 =	vor.u32 $0x300, v4;
	v19 =	vor.u32 $0x100, v3;
	v20 =	vld.idx.msk [tilespmem:v4+s15+$0x0], $0xffff;
	[tilespmem:s31+$0x11180] =	vst v21  }
.LBB2_9:
0x1ca: {  	s9 =	sadd.s32 $0x10, s9;
	s3 =	sadd.s32 $0x10, s3;
	v21 =	vld.idx.msk [tilespmem:v15+s15+$0x0], $0xffff;
	[tilespmem:s30+$0x11380] =	vst v13;
	s30 =	smov.u32 s29  }
0x1cb: {  	v13 =	vshll.u32 v17, $0x3;
	v23 =	vor.u32 $0x80, v4;
	s29 =	smov.u32 s28;
	v22 =	vld [tilespmem:s3+$0x0];
	s6 =	sand.u32 $0x70, s9;
	p1 =	slt.u32 s9, $0xFF0;
	[tilespmem:s0+$0x11100] =	vst v14  }
0x1cc: {  	s8 =	sadd.s32 $0x80, s8;
	v25 =	vor.u32 $0x280, v1;
	s28 =	smov.u32 s31;
	s31 =	smov.u32 s0;
	v14 =	vand.u32 $0x7F, v17;
	v13 =	vand.u32 $0xFFFFFC00, v13;
	v24 =	vld.idx.msk [tilespmem:v18+s15+$0x0], $0xffff;
	[tilespmem:s30+$0x11300] =	vst v12  }
0x1cd: {  	s7 =	sand.u32 $0x7C00, s8;
	s0 =	smov.u32 s1;
	v26 =	vor.u32 v14, v13;
	[tilespmem:s1+$0x11080] =	vst v16;
	v13 =	vld.idx.msk [tilespmem:v10+s15+$0x0], $0xffff  }
.Ltmp5:
0x1ce: {  	v15 =	vor.u32 $0x200, v2;
	v10 =	vor.u32 $0x300, v26;
	s1 =	sor.u32 s2, s7;
	s2 =	smov.u32 s4;
	v14 =	vld.idx.msk [tilespmem:v19+s15+$0x0], $0xffff;
	[tilespmem:s29+$0x11280] =	vst v11;
	(pc) =	sbr.rel @p1 .LBB2_9-.Ltmp5, $4  }
0x1cf: {  	s4 =	smov.u32 s6;
	[tilespmem:s1+$0x11000] =	vst v20;
	v12 =	vld.idx.msk [tilespmem:v9+s15+$0x0], $0xffff;
	v9 =	vmovc v8;
	v8 =	vmovc v5;
	v5 =	vmov v7;
	v7 =	vmov v6;
	v6 =	vmov v10  }
0x1d0: {  	v18 =	vor.u32 $0x180, v3;
	v16 =	vld.idx.msk [tilespmem:v23+s15+$0x0], $0xffff;
	[tilespmem:s28+$0x11200] =	vst v21;
	v17 =	vmov v22  }
0x1d1: {  	v10 =	vor.u32 $0x380, v0;
	v0 =	vmovc v1;
	v1 =	vmovc v2;
	v2 =	vmov v3;
	v3 =	vmov v4;
	v11 =	vld.idx.msk [tilespmem:v25+s15+$0x0], $0xffff  }
0x1d2: {  	v4 =	vmov v26;
	v19 =	vor.u32 $0x100, v3;
	v20 =	vld.idx.msk [tilespmem:v26+s15+$0x0], $0xffff;
	[tilespmem:s31+$0x11180] =	vst v24  }
0x1d3: {  	v21 =	vshll.u32 v17, $0x3  }
0x1d4: {  	v36 =	vand.u32 $0x7F, v17;
	v21 =	vand.u32 $0xFFFFFC00, v21  }
0x1d5: {  	v17 =	vor.u32 v36, v21;
	_ =	sdelay $0x4  }
0x1d6: {  	v37 =	vor.u32 $0x80, v4;
	v22 =	vld.idx.msk [tilespmem:v17+s15+$0x0], $0xffff  }
0x1d7: {  	s3 =	sadd.s32 $0x80, s8;
	v23 =	vor.u32 $0x80, v17  }
0x1d8: {  	s6 =	sand.u32 $0x7C00, s3;
	s7 =	sadd.s32 $0x80, s3  }
0x1d9: {  	s13 =	sor.u32 s2, s6;
	s16 =	sand.u32 $0x7C00, s7  }
0x1da: {  	s23 =	sor.u32 s4, s16;
	[tilespmem:s13+$0x11000] =	vst v20  }
0x1db: {  	v20 =	vld.idx.msk [tilespmem:v37+s15+$0x0], $0xffff;
	[tilespmem:s23+$0x11000] =	vst v22  }
0x1dc: {  	v38 =	vor.u32 $0x100, v4;
	v22 =	vld.idx.msk [tilespmem:v23+s15+$0x0], $0xffff  }
0x1dd: {  	v39 =	vor.u32 $0x100, v17;
	_ =	sdelay $0x1  }
0x1de: {  	[tilespmem:s1+$0x11080] =	vst v16  }
0x1df: {  	v16 =	vld.idx.msk [tilespmem:v19+s15+$0x0], $0xffff;
	[tilespmem:s13+$0x11080] =	vst v20  }
0x1e0: {  	v40 =	vor.u32 $0x180, v3;
	v20 =	vld.idx.msk [tilespmem:v38+s15+$0x0], $0xffff;
	[tilespmem:s23+$0x11080] =	vst v22  }
0x1e1: {  	v41 =	vor.u32 $0x180, v4;
	v22 =	vld.idx.msk [tilespmem:v39+s15+$0x0], $0xffff  }
0x1e2: {  	v42 =	vor.u32 $0x180, v17  }
0x1e3: {  	[tilespmem:s0+$0x11100] =	vst v14  }
0x1e4: {  	v14 =	vld.idx.msk [tilespmem:v18+s15+$0x0], $0xffff;
	[tilespmem:s1+$0x11100] =	vst v16  }
0x1e5: {  	v43 =	vor.u32 $0x200, v2;
	v44 =	vld.idx.msk [tilespmem:v40+s15+$0x0], $0xffff;
	[tilespmem:s13+$0x11100] =	vst v20  }
0x1e6: {  	v45 =	vor.u32 $0x200, v3;
	v20 =	vld.idx.msk [tilespmem:v41+s15+$0x0], $0xffff;
	[tilespmem:s23+$0x11100] =	vst v22  }
0x1e7: {  	[tilespmem:s30+$0x11380] =	vst v13;
	v46 =	vor.u32 $0x200, v4;
	v47 =	vld.idx.msk [tilespmem:v42+s15+$0x0], $0xffff  }
0x1e8: {  	[tilespmem:s29+$0x11300] =	vst v12;
	v48 =	vor.u32 $0x200, v17  }
0x1e9: {  	v15 =	vld.idx.msk [tilespmem:v15+s15+$0x0], $0xffff;
	[tilespmem:s0+$0x11180] =	vst v14  }
0x1ea: {  	v49 =	vor.u32 $0x280, v1;
	v16 =	vld.idx.msk [tilespmem:v43+s15+$0x0], $0xffff;
	[tilespmem:s1+$0x11180] =	vst v44  }
0x1eb: {  	v50 =	vor.u32 $0x280, v2;
	v19 =	vld.idx.msk [tilespmem:v45+s15+$0x0], $0xffff;
	[tilespmem:s13+$0x11180] =	vst v20  }
0x1ec: {  	v51 =	vor.u32 $0x280, v3;
	v13 =	vld.idx.msk [tilespmem:v46+s15+$0x0], $0xffff;
	[tilespmem:s23+$0x11180] =	vst v47  }
0x1ed: {  	v52 =	vor.u32 $0x280, v4;
	[tilespmem:s28+$0x11280] =	vst v11;
	v12 =	vld.idx.msk [tilespmem:v48+s15+$0x0], $0xffff  }
0x1ee: {  	v10 =	vld.idx.msk [tilespmem:v10+s15+$0x0], $0xffff;
	v53 =	vor.u32 $0x280, v17;
	[tilespmem:s31+$0x11200] =	vst v15  }
0x1ef: {  	v14 =	vld.idx.msk [tilespmem:v49+s15+$0x0], $0xffff;
	[tilespmem:s0+$0x11200] =	vst v16  }
0x1f0: {  	v16 =	vld.idx.msk [tilespmem:v50+s15+$0x0], $0xffff;
	[tilespmem:s1+$0x11200] =	vst v19  }
0x1f1: {  	v54 =	vld.idx.msk [tilespmem:v51+s15+$0x0], $0xffff;
	[tilespmem:s13+$0x11200] =	vst v13  }
0x1f2: {  	v11 =	vld.idx.msk [tilespmem:v52+s15+$0x0], $0xffff;
	[tilespmem:s23+$0x11200] =	vst v12  }
0x1f3: {  	[tilespmem:s29+$0x11380] =	vst v10;
	v55 =	vld.idx.msk [tilespmem:v53+s15+$0x0], $0xffff  }
0x1f4: {  	v56 =	vor.u32 $0x300, v17;
	v9 =	vld.idx.msk [tilespmem:v9+s15+$0x0], $0xffff;
	[tilespmem:s31+$0x11280] =	vst v14  }
0x1f5: {  	v0 =	vor.u32 $0x380, v0;
	v8 =	vld.idx.msk [tilespmem:v8+s15+$0x0], $0xffff;
	[tilespmem:s0+$0x11280] =	vst v16  }
0x1f6: {  	v57 =	vor.u32 $0x380, v1;
	v5 =	vld.idx.msk [tilespmem:v5+s15+$0x0], $0xffff;
	[tilespmem:s1+$0x11280] =	vst v54  }
0x1f7: {  	v58 =	vor.u32 $0x380, v2;
	v7 =	vld.idx.msk [tilespmem:v7+s15+$0x0], $0xffff;
	[tilespmem:s13+$0x11280] =	vst v11  }
0x1f8: {  	v59 =	vor.u32 $0x380, v3;
	v6 =	vld.idx.msk [tilespmem:v6+s15+$0x0], $0xffff;
	[tilespmem:s23+$0x11280] =	vst v55  }
0x1f9: {  	v60 =	vor.u32 $0x380, v4;
	[tilespmem:s28+$0x11300] =	vst v9;
	v61 =	vld.idx.msk [tilespmem:v56+s15+$0x0], $0xffff  }
0x1fa: {  	v62 =	vor.u32 $0x380, v17;
	v0 =	vld.idx.msk [tilespmem:v0+s15+$0x0], $0xffff;
	[tilespmem:s31+$0x11300] =	vst v8  }
0x1fb: {  	v1 =	vld.idx.msk [tilespmem:v57+s15+$0x0], $0xffff;
	[tilespmem:s0+$0x11300] =	vst v5  }
0x1fc: {  	v2 =	vld.idx.msk [tilespmem:v58+s15+$0x0], $0xffff;
	[tilespmem:s1+$0x11300] =	vst v7  }
0x1fd: {  	v3 =	vld.idx.msk [tilespmem:v59+s15+$0x0], $0xffff;
	[tilespmem:s13+$0x11300] =	vst v6  }
0x1fe: {  	v4 =	vld.idx.msk [tilespmem:v60+s15+$0x0], $0xffff;
	[tilespmem:s23+$0x11300] =	vst v61  }
0x1ff: {  	[tilespmem:s28+$0x11380] =	vst v0;
	v63 =	vld.idx.msk [tilespmem:v62+s15+$0x0], $0xffff  }
0x200: {  	[tilespmem:s31+$0x11380] =	vst v1  }
.Ltmp6:
0x201: {  	[tilespmem:s0+$0x11380] =	vst v2;
	(pc) =	sbr.rel @p0 .LBB2_12-.Ltmp6, $4  }
0x202: {  	[tilespmem:s1+$0x11380] =	vst v3  }
0x203: {  	[tilespmem:s13+$0x11380] =	vst v4  }
0x204: {  	s30 =	sadd.s32 s26, s10;
	s31 =	simm.s32 $0x15000;
	[tilespmem:s23+$0x11380] =	vst v63  }
0x205: {  	[hbm4b:s30+s5] =	stream.linear.scatter [tilespmem:s31], [sflag:$0x4], $0x4000, $0x38;
	[tilespmem:$0x19000] =	vst v63  }
.Ltmp7:
0x206: {  	s0 =	rddreg [dreg:$0x8];
	(pc) =	sbr.rel .LBB2_2-.Ltmp7, $4  }
0x207: {  	s0 =	sadd.s32 s25, s0  }
0x208: {  	s1 =	rddreg [dreg:$0x0];
	s0 =	sshll.u32 s0, $0x9  }
0x209: {  	s24 =	sadd.s32 $0x1, s24;
	s0 =	sadd.s32 s1, s0  }
0x20a: {  	[tilespmem:s15], [sflag:$0x2] =	stream.linear.gather [hbm4b:s0+s5], $0x8000, $0x38;
	[tilespmem:$0x19000] =	vst v63  }
.LBB2_13:
0x20b: {  	_ =	sfence.sel $0x180000  }
0x20c: {  	[bflag:$0x0] =	sbarrier.arrive $0xFFFF  }
0x20d: {  	_ =	strace $0x90000047  }
0x20e: {  	s0 =	stileid.u32;
	[bflag:$0x2] =	sbarrier.arrive $0xFFFF  }
0x20f: {  	p0 =	sne.s32 s0, $0x0;
	s0 =	rddreg [dreg:$0x3]  }
0x210: {  	s0 =	sadd.s32 @!p0 $0x100000, s0  }
0x211: {  	[sflag:s0] =	ssyncadd.tile.s32 @!p0 $0x1;
	_ =	shalt  }
.Lfunc_end2:
_tile_overlayer_lowered:
.L_overlay_start_2:
0x212: {  	(tag) =	ssettag $0x2  }
0x213: {  	s0 =	rddreg [dreg:$0x0];
	s2 =	stileid.u32  }
0x214: {  	s1 =	rddreg [dreg:$0x1];
	p0 =	sne.s32 s2, $0x0  }
0x215: {  	s3 =	rddreg [dreg:$0x2];
	[bflag:$0x3] =	sbarrier.arrive $0xFFFF;
	s2 =	simm.s32 @!p0 $0x1C05  }
0x216: {  	[timem:s3], [sflag:s2] =	dma.local @!p0 [hbm:s0], s1  }
0x217: {  	s0 =	simm.s32 @!p0 $0x5  }
0x218: {  	_ =	swait.ge @!p0 [sflag:s0], s1  }
0x219: {  	s1 =	ssub.s32 @!p0 $0x0, s1;
	[sflag:s0] =	ssyncset.done @!p0 $0x0  }
0x21a: {  	[sflag:s0] =	ssyncadd.s32 @!p0 s1  }
0x21b: {  	[bflag:$0x3] =	sbarrier.arrive $0xFFFF  }
0x21c: {  	_ =	shalt  }

</sc_bundles>
